<compile_context>
chip_gen: v7x
topology: tpu7x:2x2x1
jax: 0.10.2.dev20260603
libtpu: 0.0.44.dev20260713+nightly
codegen_flags: <defaults>
</compile_context>

<pallas_src>
import functools

import jax
import jax.numpy as jnp
from jax import lax
from jax.experimental import pallas as pl
from jax.experimental.pallas import tpu as pltpu
from jax.experimental.pallas import tpu_sc as plsc

SIZE = 768
B, T = 4, 8192
N = 65536
ROWS = B * T

_NC = 2
_NS = 16
_NW = _NC * _NS
_N_PER_W = N // _NW
_CHUNK = 128
_NCHUNK = _N_PER_W // _CHUNK

_ROW_BLK = 4096


def _proj_body(x_ref, w_ref, b_ref, o_ref):
    x = x_ref[...]
    w = w_ref[...]
    o2 = lax.dot_general(x, w, (((1,), (0,)), ((), ())),
                         preferred_element_type=jnp.float32)
    o_ref[...] = o2[:, :1] + b_ref[0, 0]


def _project(flat, Wrep, b2):
    grid = ROWS // _ROW_BLK
    return pl.pallas_call(
        _proj_body,
        grid=(grid,),
        in_specs=[
            pl.BlockSpec((_ROW_BLK, SIZE), lambda i: (i, 0)),
            pl.BlockSpec((SIZE, 128), lambda i: (0, 0)),
            pl.BlockSpec((1, 1), lambda i: (0, 0)),
        ],
        out_specs=pl.BlockSpec((_ROW_BLK, 1), lambda i: (i, 0)),
        out_shape=jax.ShapeDtypeStruct((ROWS, 1), jnp.float32),
        compiler_params=pltpu.CompilerParams(
            dimension_semantics=("parallel",)),
    )(flat, Wrep, b2)


def _sc_gather_body(p_hbm, idx_hbm, out_hbm, idx_v, vals_v, sem):
    wid = lax.axis_index("s") * _NC + lax.axis_index("c")
    base = wid * _N_PER_W
    pltpu.sync_copy(idx_hbm.at[pl.ds(base, _N_PER_W)], idx_v)
    copies = []
    for j in range(_NCHUNK):
        sl = pl.ds(j * _CHUNK, _CHUNK)
        copies.append(pltpu.async_copy(p_hbm.at[idx_v.at[sl]], vals_v.at[sl], sem))
    for c in copies:
        c.wait()
    pltpu.sync_copy(vals_v, out_hbm.at[pl.ds(base, _N_PER_W)])


@functools.lru_cache(maxsize=1)
def _sc_gather_kernel():
    return pl.kernel(
        _sc_gather_body,
        mesh=plsc.VectorSubcoreMesh(core_axis_name="c", subcore_axis_name="s"),
        out_type=jax.ShapeDtypeStruct((N,), jnp.float32),
        scratch_types=[
            pltpu.VMEM((_N_PER_W,), jnp.int32),
            pltpu.VMEM((_N_PER_W,), jnp.float32),
            pltpu.SemaphoreType.DMA,
        ],
    )


def _loss_body(x_ref, t_ref, o_ref):
    x = x_ref[...]
    t = t_ref[...]
    terms = jnp.maximum(x, 0.0) - x * t + jnp.log1p(jnp.exp(-jnp.abs(x)))
    o_ref[0, 0] = jnp.sum(terms)


def _loss(final2d, targets2d):
    return pl.pallas_call(
        _loss_body,
        out_specs=pl.BlockSpec(memory_space=pltpu.SMEM),
        out_shape=jax.ShapeDtypeStruct((1, 1), jnp.float32),
    )(final2d, targets2d)


def kernel(rnn_output, indices, targets, W, b):
    flat = rnn_output.reshape(ROWS, SIZE)
    idx = indices.astype(jnp.int32)
    b2 = b.reshape(1, 1)
    w_rep = jnp.broadcast_to(W.reshape(SIZE, 1), (SIZE, 128))
    p = _project(flat, w_rep, b2).reshape(ROWS)
    final = _sc_gather_kernel()(p, idx)
    loss = _loss(final.reshape(512, 128), targets.reshape(512, 128))
    return final, loss.reshape(())

# --- scband reference (transcript-rebuilt; emitter-appended) ---
"""Pipeline reference for scband-labeler-task-7748121001985 (READ-ONLY COPY).

The authoritative reference and input builder live on the scoring server;
editing this copy changes nothing except your own understanding.
"""

import jax, jax.numpy as jnp
import numpy as np

SIZE = 768
B, T = 4, 8192
N = 65536


def setup_inputs(seed: int = 0) -> dict:
    key = jax.random.key(seed)
    k1, k2, k3, k4, k5 = jax.random.split(key, 5)
    rnn_output = jax.random.normal(k1, (B, T, SIZE), dtype=jnp.float32)
    indices = jax.random.randint(k2, (N,), 0, B * T, dtype=jnp.int64)
    targets = jax.random.uniform(k3, (N,), dtype=jnp.float32)
    # final_layer: nn.Linear(size, 1, bias=True)
    bound = 1.0 / np.sqrt(SIZE)
    W = jax.random.uniform(k4, (1, SIZE), dtype=jnp.float32, minval=-bound, maxval=bound)
    bvec = jax.random.uniform(k5, (1,), dtype=jnp.float32, minval=-bound, maxval=bound)
    return {"rnn_output": rnn_output, "indices": indices, "targets": targets, "W": W, "b": bvec}


def _bce_with_logits_sum(logits, targets):
    # numerically stable: max(x,0) - x*t + log(1 + exp(-|x|))
    return jnp.sum(jnp.maximum(logits, 0.0) - logits * targets + jnp.log1p(jnp.exp(-jnp.abs(logits))))


def reference(rnn_output, indices, targets, W, b):
    flat_rnn_output = rnn_output.reshape(-1, SIZE)
    # nn.functional.embedding(indices, flat_rnn_output) == row gather
    correct_output = jnp.take(flat_rnn_output, indices, axis=0)
    final = correct_output @ W.T + b
    final = final.reshape((final.shape[0],))
    loss = _bce_with_logits_sum(final, targets)
    return (final, loss)

if __name__ == "__main__":
    import jax
    _d = setup_inputs()
    print(jax.jit(kernel)(*tuple(_d.values())))

</pallas_src>

<mosaic_0001>
#map = affine_map<(d0, d1) -> (0)>
module attributes {stable_mosaic.version = 14 : i64} {
  func.func @_sc_gather_body(%arg0: i32, %arg1: i32, %arg2: memref<32768xf32, #tpu.memory_space<hbm>>, %arg3: memref<65536xi32, #tpu.memory_space<hbm>>, %arg4: memref<65536xf32, #tpu.memory_space<hbm>>, %arg5: memref<2048xi32, #tpu.memory_space<vmem>>, %arg6: memref<2048xf32, #tpu.memory_space<vmem>>, %arg7: memref<!tpu.dma_semaphore, #tpu.memory_space<semaphore_mem>>) attributes {dimension_semantics = [#tpu.dimension_semantics<core_parallel>, #tpu.dimension_semantics<subcore_parallel>], iteration_bounds = array<i64: 2, 16>, scalar_prefetch = 0 : i64, scratch_operands = 3 : i64, tpu.core_type = #tpu.core_type<sc_vector_subcore>, window_params = [{transform_indices = #map}, {transform_indices = #map}, {transform_indices = #map}]} {
    %mul3A = arith.constant 2 : i32
    %mul3A_0 = arith.muli %arg1, %mul3A : i32
    %add3A = arith.addi %mul3A_0, %arg0 : i32
    %mul3A_1 = arith.constant 2048 : i32
    %mul3A_2 = arith.muli %add3A, %mul3A_1 : i32
    "tpu.region"() ({
      %run_scoped3A = tpu.sem_alloc : memref<!tpu.dma_semaphore, #tpu.memory_space<semaphore_mem>>
      %dma_start3A_193 = tpu.memref_slice %arg3[%mul3A_2] : memref<65536xi32, #tpu.memory_space<hbm>> -> memref<2048xi32, #tpu.memory_space<hbm>>
      %dma_start3A_194 = tpu.memref_slice %arg3[%mul3A_2] : memref<65536xi32, #tpu.memory_space<hbm>> -> memref<2048xi32, #tpu.memory_space<hbm>>
      tpu.enqueue_dma source(%dma_start3A_194 : memref<2048xi32, #tpu.memory_space<hbm>>) target(%arg5 : memref<2048xi32, #tpu.memory_space<vmem>>) target_semaphore(%run_scoped3A : memref<!tpu.dma_semaphore, #tpu.memory_space<semaphore_mem>>)
      %dma_wait3A_195 = tpu.memref_slice %arg3[%mul3A_2] : memref<65536xi32, #tpu.memory_space<hbm>> -> memref<2048xi32, #tpu.memory_space<hbm>>
      %dma_wait3A_196 = tpu.memref_slice %arg3[%mul3A_2] : memref<65536xi32, #tpu.memory_space<hbm>> -> memref<2048xi32, #tpu.memory_space<hbm>>
      tpu.wait_dma2 semaphore(%run_scoped3A : memref<!tpu.dma_semaphore, #tpu.memory_space<semaphore_mem>>) src(%dma_wait3A_196 : memref<2048xi32, #tpu.memory_space<hbm>>) dst(%arg5 : memref<2048xi32, #tpu.memory_space<vmem>>)
      tpu.yield
    }) : () -> ()
    %dma_start3A = arith.constant 0 : i32
    %dma_start3A_3 = tpu.memref_slice %arg6[%dma_start3A] : memref<2048xf32, #tpu.memory_space<vmem>> -> memref<128xf32, #tpu.memory_space<vmem>>
    %dma_start3A_4 = arith.constant 0 : i32
    %dma_start3A_5 = tpu.memref_slice %arg5[%dma_start3A_4] : memref<2048xi32, #tpu.memory_space<vmem>> -> memref<128xi32, #tpu.memory_space<vmem>>
    %dma_start3A_6 = arith.constant 0 : i32
    %dma_start3A_7 = tpu.memref_slice %arg2[%dma_start3A_6] : memref<32768xf32, #tpu.memory_space<hbm>> -> memref<32768xf32, #tpu.memory_space<hbm>>
    tpu.enqueue_indirect_dma source(%dma_start3A_7 : memref<32768xf32, #tpu.memory_space<hbm>>) target(%dma_start3A_3 : memref<128xf32, #tpu.memory_space<vmem>>) offsets(%dma_start3A_5 : memref<128xi32, #tpu.memory_space<vmem>>) semaphore(%arg7 : memref<!tpu.dma_semaphore, #tpu.memory_space<semaphore_mem>>)
    %dma_start3A_8 = arith.constant 128 : i32
    %dma_start3A_9 = tpu.memref_slice %arg6[%dma_start3A_8] : memref<2048xf32, #tpu.memory_space<vmem>> -> memref<128xf32, #tpu.memory_space<vmem>>
    %dma_start3A_10 = arith.constant 128 : i32
    %dma_start3A_11 = tpu.memref_slice %arg5[%dma_start3A_10] : memref<2048xi32, #tpu.memory_space<vmem>> -> memref<128xi32, #tpu.memory_space<vmem>>
    %dma_start3A_12 = arith.constant 0 : i32
    %dma_start3A_13 = tpu.memref_slice %arg2[%dma_start3A_12] : memref<32768xf32, #tpu.memory_space<hbm>> -> memref<32768xf32, #tpu.memory_space<hbm>>
    tpu.enqueue_indirect_dma source(%dma_start3A_13 : memref<32768xf32, #tpu.memory_space<hbm>>) target(%dma_start3A_9 : memref<128xf32, #tpu.memory_space<vmem>>) offsets(%dma_start3A_11 : memref<128xi32, #tpu.memory_space<vmem>>) semaphore(%arg7 : memref<!tpu.dma_semaphore, #tpu.memory_space<semaphore_mem>>)
    %dma_start3A_14 = arith.constant 256 : i32
    %dma_start3A_15 = tpu.memref_slice %arg6[%dma_start3A_14] : memref<2048xf32, #tpu.memory_space<vmem>> -> memref<128xf32, #tpu.memory_space<vmem>>
    %dma_start3A_16 = arith.constant 256 : i32
    %dma_start3A_17 = tpu.memref_slice %arg5[%dma_start3A_16] : memref<2048xi32, #tpu.memory_space<vmem>> -> memref<128xi32, #tpu.memory_space<vmem>>
    %dma_start3A_18 = arith.constant 0 : i32
    %dma_start3A_19 = tpu.memref_slice %arg2[%dma_start3A_18] : memref<32768xf32, #tpu.memory_space<hbm>> -> memref<32768xf32, #tpu.memory_space<hbm>>
    tpu.enqueue_indirect_dma source(%dma_start3A_19 : memref<32768xf32, #tpu.memory_space<hbm>>) target(%dma_start3A_15 : memref<128xf32, #tpu.memory_space<vmem>>) offsets(%dma_start3A_17 : memref<128xi32, #tpu.memory_space<vmem>>) semaphore(%arg7 : memref<!tpu.dma_semaphore, #tpu.memory_space<semaphore_mem>>)
    %dma_start3A_20 = arith.constant 384 : i32
    %dma_start3A_21 = tpu.memref_slice %arg6[%dma_start3A_20] : memref<2048xf32, #tpu.memory_space<vmem>> -> memref<128xf32, #tpu.memory_space<vmem>>
    %dma_start3A_22 = arith.constant 384 : i32
    %dma_start3A_23 = tpu.memref_slice %arg5[%dma_start3A_22] : memref<2048xi32, #tpu.memory_space<vmem>> -> memref<128xi32, #tpu.memory_space<vmem>>
    %dma_start3A_24 = arith.constant 0 : i32
    %dma_start3A_25 = tpu.memref_slice %arg2[%dma_start3A_24] : memref<32768xf32, #tpu.memory_space<hbm>> -> memref<32768xf32, #tpu.memory_space<hbm>>
    tpu.enqueue_indirect_dma source(%dma_start3A_25 : memref<32768xf32, #tpu.memory_space<hbm>>) target(%dma_start3A_21 : memref<128xf32, #tpu.memory_space<vmem>>) offsets(%dma_start3A_23 : memref<128xi32, #tpu.memory_space<vmem>>) semaphore(%arg7 : memref<!tpu.dma_semaphore, #tpu.memory_space<semaphore_mem>>)
    %dma_start3A_26 = arith.constant 512 : i32
    %dma_start3A_27 = tpu.memref_slice %arg6[%dma_start3A_26] : memref<2048xf32, #tpu.memory_space<vmem>> -> memref<128xf32, #tpu.memory_space<vmem>>
    %dma_start3A_28 = arith.constant 512 : i32
    %dma_start3A_29 = tpu.memref_slice %arg5[%dma_start3A_28] : memref<2048xi32, #tpu.memory_space<vmem>> -> memref<128xi32, #tpu.memory_space<vmem>>
    %dma_start3A_30 = arith.constant 0 : i32
    %dma_start3A_31 = tpu.memref_slice %arg2[%dma_start3A_30] : memref<32768xf32, #tpu.memory_space<hbm>> -> memref<32768xf32, #tpu.memory_space<hbm>>
    tpu.enqueue_indirect_dma source(%dma_start3A_31 : memref<32768xf32, #tpu.memory_space<hbm>>) target(%dma_start3A_27 : memref<128xf32, #tpu.memory_space<vmem>>) offsets(%dma_start3A_29 : memref<128xi32, #tpu.memory_space<vmem>>) semaphore(%arg7 : memref<!tpu.dma_semaphore, #tpu.memory_space<semaphore_mem>>)
    %dma_start3A_32 = arith.constant 640 : i32
    %dma_start3A_33 = tpu.memref_slice %arg6[%dma_start3A_32] : memref<2048xf32, #tpu.memory_space<vmem>> -> memref<128xf32, #tpu.memory_space<vmem>>
    %dma_start3A_34 = arith.constant 640 : i32
    %dma_start3A_35 = tpu.memref_slice %arg5[%dma_start3A_34] : memref<2048xi32, #tpu.memory_space<vmem>> -> memref<128xi32, #tpu.memory_space<vmem>>
    %dma_start3A_36 = arith.constant 0 : i32
    %dma_start3A_37 = tpu.memref_slice %arg2[%dma_start3A_36] : memref<32768xf32, #tpu.memory_space<hbm>> -> memref<32768xf32, #tpu.memory_space<hbm>>
    tpu.enqueue_indirect_dma source(%dma_start3A_37 : memref<32768xf32, #tpu.memory_space<hbm>>) target(%dma_start3A_33 : memref<128xf32, #tpu.memory_space<vmem>>) offsets(%dma_start3A_35 : memref<128xi32, #tpu.memory_space<vmem>>) semaphore(%arg7 : memref<!tpu.dma_semaphore, #tpu.memory_space<semaphore_mem>>)
    %dma_start3A_38 = arith.constant 768 : i32
    %dma_start3A_39 = tpu.memref_slice %arg6[%dma_start3A_38] : memref<2048xf32, #tpu.memory_space<vmem>> -> memref<128xf32, #tpu.memory_space<vmem>>
    %dma_start3A_40 = arith.constant 768 : i32
    %dma_start3A_41 = tpu.memref_slice %arg5[%dma_start3A_40] : memref<2048xi32, #tpu.memory_space<vmem>> -> memref<128xi32, #tpu.memory_space<vmem>>
    %dma_start3A_42 = arith.constant 0 : i32
    %dma_start3A_43 = tpu.memref_slice %arg2[%dma_start3A_42] : memref<32768xf32, #tpu.memory_space<hbm>> -> memref<32768xf32, #tpu.memory_space<hbm>>
    tpu.enqueue_indirect_dma source(%dma_start3A_43 : memref<32768xf32, #tpu.memory_space<hbm>>) target(%dma_start3A_39 : memref<128xf32, #tpu.memory_space<vmem>>) offsets(%dma_start3A_41 : memref<128xi32, #tpu.memory_space<vmem>>) semaphore(%arg7 : memref<!tpu.dma_semaphore, #tpu.memory_space<semaphore_mem>>)
    %dma_start3A_44 = arith.constant 896 : i32
    %dma_start3A_45 = tpu.memref_slice %arg6[%dma_start3A_44] : memref<2048xf32, #tpu.memory_space<vmem>> -> memref<128xf32, #tpu.memory_space<vmem>>
    %dma_start3A_46 = arith.constant 896 : i32
    %dma_start3A_47 = tpu.memref_slice %arg5[%dma_start3A_46] : memref<2048xi32, #tpu.memory_space<vmem>> -> memref<128xi32, #tpu.memory_space<vmem>>
    %dma_start3A_48 = arith.constant 0 : i32
    %dma_start3A_49 = tpu.memref_slice %arg2[%dma_start3A_48] : memref<32768xf32, #tpu.memory_space<hbm>> -> memref<32768xf32, #tpu.memory_space<hbm>>
    tpu.enqueue_indirect_dma source(%dma_start3A_49 : memref<32768xf32, #tpu.memory_space<hbm>>) target(%dma_start3A_45 : memref<128xf32, #tpu.memory_space<vmem>>) offsets(%dma_start3A_47 : memref<128xi32, #tpu.memory_space<vmem>>) semaphore(%arg7 : memref<!tpu.dma_semaphore, #tpu.memory_space<semaphore_mem>>)
    %dma_start3A_50 = arith.constant 1024 : i32
    %dma_start3A_51 = tpu.memref_slice %arg6[%dma_start3A_50] : memref<2048xf32, #tpu.memory_space<vmem>> -> memref<128xf32, #tpu.memory_space<vmem>>
    %dma_start3A_52 = arith.constant 1024 : i32
    %dma_start3A_53 = tpu.memref_slice %arg5[%dma_start3A_52] : memref<2048xi32, #tpu.memory_space<vmem>> -> memref<128xi32, #tpu.memory_space<vmem>>
    %dma_start3A_54 = arith.constant 0 : i32
    %dma_start3A_55 = tpu.memref_slice %arg2[%dma_start3A_54] : memref<32768xf32, #tpu.memory_space<hbm>> -> memref<32768xf32, #tpu.memory_space<hbm>>
    tpu.enqueue_indirect_dma source(%dma_start3A_55 : memref<32768xf32, #tpu.memory_space<hbm>>) target(%dma_start3A_51 : memref<128xf32, #tpu.memory_space<vmem>>) offsets(%dma_start3A_53 : memref<128xi32, #tpu.memory_space<vmem>>) semaphore(%arg7 : memref<!tpu.dma_semaphore, #tpu.memory_space<semaphore_mem>>)
    %dma_start3A_56 = arith.constant 1152 : i32
    %dma_start3A_57 = tpu.memref_slice %arg6[%dma_start3A_56] : memref<2048xf32, #tpu.memory_space<vmem>> -> memref<128xf32, #tpu.memory_space<vmem>>
    %dma_start3A_58 = arith.constant 1152 : i32
    %dma_start3A_59 = tpu.memref_slice %arg5[%dma_start3A_58] : memref<2048xi32, #tpu.memory_space<vmem>> -> memref<128xi32, #tpu.memory_space<vmem>>
    %dma_start3A_60 = arith.constant 0 : i32
    %dma_start3A_61 = tpu.memref_slice %arg2[%dma_start3A_60] : memref<32768xf32, #tpu.memory_space<hbm>> -> memref<32768xf32, #tpu.memory_space<hbm>>
    tpu.enqueue_indirect_dma source(%dma_start3A_61 : memref<32768xf32, #tpu.memory_space<hbm>>) target(%dma_start3A_57 : memref<128xf32, #tpu.memory_space<vmem>>) offsets(%dma_start3A_59 : memref<128xi32, #tpu.memory_space<vmem>>) semaphore(%arg7 : memref<!tpu.dma_semaphore, #tpu.memory_space<semaphore_mem>>)
    %dma_start3A_62 = arith.constant 1280 : i32
    %dma_start3A_63 = tpu.memref_slice %arg6[%dma_start3A_62] : memref<2048xf32, #tpu.memory_space<vmem>> -> memref<128xf32, #tpu.memory_space<vmem>>
    %dma_start3A_64 = arith.constant 1280 : i32
    %dma_start3A_65 = tpu.memref_slice %arg5[%dma_start3A_64] : memref<2048xi32, #tpu.memory_space<vmem>> -> memref<128xi32, #tpu.memory_space<vmem>>
    %dma_start3A_66 = arith.constant 0 : i32
    %dma_start3A_67 = tpu.memref_slice %arg2[%dma_start3A_66] : memref<32768xf32, #tpu.memory_space<hbm>> -> memref<32768xf32, #tpu.memory_space<hbm>>
    tpu.enqueue_indirect_dma source(%dma_start3A_67 : memref<32768xf32, #tpu.memory_space<hbm>>) target(%dma_start3A_63 : memref<128xf32, #tpu.memory_space<vmem>>) offsets(%dma_start3A_65 : memref<128xi32, #tpu.memory_space<vmem>>) semaphore(%arg7 : memref<!tpu.dma_semaphore, #tpu.memory_space<semaphore_mem>>)
    %dma_start3A_68 = arith.constant 1408 : i32
    %dma_start3A_69 = tpu.memref_slice %arg6[%dma_start3A_68] : memref<2048xf32, #tpu.memory_space<vmem>> -> memref<128xf32, #tpu.memory_space<vmem>>
    %dma_start3A_70 = arith.constant 1408 : i32
    %dma_start3A_71 = tpu.memref_slice %arg5[%dma_start3A_70] : memref<2048xi32, #tpu.memory_space<vmem>> -> memref<128xi32, #tpu.memory_space<vmem>>
    %dma_start3A_72 = arith.constant 0 : i32
    %dma_start3A_73 = tpu.memref_slice %arg2[%dma_start3A_72] : memref<32768xf32, #tpu.memory_space<hbm>> -> memref<32768xf32, #tpu.memory_space<hbm>>
    tpu.enqueue_indirect_dma source(%dma_start3A_73 : memref<32768xf32, #tpu.memory_space<hbm>>) target(%dma_start3A_69 : memref<128xf32, #tpu.memory_space<vmem>>) offsets(%dma_start3A_71 : memref<128xi32, #tpu.memory_space<vmem>>) semaphore(%arg7 : memref<!tpu.dma_semaphore, #tpu.memory_space<semaphore_mem>>)
    %dma_start3A_74 = arith.constant 1536 : i32
    %dma_start3A_75 = tpu.memref_slice %arg6[%dma_start3A_74] : memref<2048xf32, #tpu.memory_space<vmem>> -> memref<128xf32, #tpu.memory_space<vmem>>
    %dma_start3A_76 = arith.constant 1536 : i32
    %dma_start3A_77 = tpu.memref_slice %arg5[%dma_start3A_76] : memref<2048xi32, #tpu.memory_space<vmem>> -> memref<128xi32, #tpu.memory_space<vmem>>
    %dma_start3A_78 = arith.constant 0 : i32
    %dma_start3A_79 = tpu.memref_slice %arg2[%dma_start3A_78] : memref<32768xf32, #tpu.memory_space<hbm>> -> memref<32768xf32, #tpu.memory_space<hbm>>
    tpu.enqueue_indirect_dma source(%dma_start3A_79 : memref<32768xf32, #tpu.memory_space<hbm>>) target(%dma_start3A_75 : memref<128xf32, #tpu.memory_space<vmem>>) offsets(%dma_start3A_77 : memref<128xi32, #tpu.memory_space<vmem>>) semaphore(%arg7 : memref<!tpu.dma_semaphore, #tpu.memory_space<semaphore_mem>>)
    %dma_start3A_80 = arith.constant 1664 : i32
    %dma_start3A_81 = tpu.memref_slice %arg6[%dma_start3A_80] : memref<2048xf32, #tpu.memory_space<vmem>> -> memref<128xf32, #tpu.memory_space<vmem>>
    %dma_start3A_82 = arith.constant 1664 : i32
    %dma_start3A_83 = tpu.memref_slice %arg5[%dma_start3A_82] : memref<2048xi32, #tpu.memory_space<vmem>> -> memref<128xi32, #tpu.memory_space<vmem>>
    %dma_start3A_84 = arith.constant 0 : i32
    %dma_start3A_85 = tpu.memref_slice %arg2[%dma_start3A_84] : memref<32768xf32, #tpu.memory_space<hbm>> -> memref<32768xf32, #tpu.memory_space<hbm>>
    tpu.enqueue_indirect_dma source(%dma_start3A_85 : memref<32768xf32, #tpu.memory_space<hbm>>) target(%dma_start3A_81 : memref<128xf32, #tpu.memory_space<vmem>>) offsets(%dma_start3A_83 : memref<128xi32, #tpu.memory_space<vmem>>) semaphore(%arg7 : memref<!tpu.dma_semaphore, #tpu.memory_space<semaphore_mem>>)
    %dma_start3A_86 = arith.constant 1792 : i32
    %dma_start3A_87 = tpu.memref_slice %arg6[%dma_start3A_86] : memref<2048xf32, #tpu.memory_space<vmem>> -> memref<128xf32, #tpu.memory_space<vmem>>
    %dma_start3A_88 = arith.constant 1792 : i32
    %dma_start3A_89 = tpu.memref_slice %arg5[%dma_start3A_88] : memref<2048xi32, #tpu.memory_space<vmem>> -> memref<128xi32, #tpu.memory_space<vmem>>
    %dma_start3A_90 = arith.constant 0 : i32
    %dma_start3A_91 = tpu.memref_slice %arg2[%dma_start3A_90] : memref<32768xf32, #tpu.memory_space<hbm>> -> memref<32768xf32, #tpu.memory_space<hbm>>
    tpu.enqueue_indirect_dma source(%dma_start3A_91 : memref<32768xf32, #tpu.memory_space<hbm>>) target(%dma_start3A_87 : memref<128xf32, #tpu.memory_space<vmem>>) offsets(%dma_start3A_89 : memref<128xi32, #tpu.memory_space<vmem>>) semaphore(%arg7 : memref<!tpu.dma_semaphore, #tpu.memory_space<semaphore_mem>>)
    %dma_start3A_92 = arith.constant 1920 : i32
    %dma_start3A_93 = tpu.memref_slice %arg6[%dma_start3A_92] : memref<2048xf32, #tpu.memory_space<vmem>> -> memref<128xf32, #tpu.memory_space<vmem>>
    %dma_start3A_94 = arith.constant 1920 : i32
    %dma_start3A_95 = tpu.memref_slice %arg5[%dma_start3A_94] : memref<2048xi32, #tpu.memory_space<vmem>> -> memref<128xi32, #tpu.memory_space<vmem>>
    %dma_start3A_96 = arith.constant 0 : i32
    %dma_start3A_97 = tpu.memref_slice %arg2[%dma_start3A_96] : memref<32768xf32, #tpu.memory_space<hbm>> -> memref<32768xf32, #tpu.memory_space<hbm>>
    tpu.enqueue_indirect_dma source(%dma_start3A_97 : memref<32768xf32, #tpu.memory_space<hbm>>) target(%dma_start3A_93 : memref<128xf32, #tpu.memory_space<vmem>>) offsets(%dma_start3A_95 : memref<128xi32, #tpu.memory_space<vmem>>) semaphore(%arg7 : memref<!tpu.dma_semaphore, #tpu.memory_space<semaphore_mem>>)
    %dma_wait3A = arith.constant 0 : i32
    %dma_wait3A_98 = tpu.memref_slice %arg6[%dma_wait3A] : memref<2048xf32, #tpu.memory_space<vmem>> -> memref<128xf32, #tpu.memory_space<vmem>>
    %dma_wait3A_99 = arith.constant 0 : i32
    %dma_wait3A_100 = tpu.memref_slice %arg5[%dma_wait3A_99] : memref<2048xi32, #tpu.memory_space<vmem>> -> memref<128xi32, #tpu.memory_space<vmem>>
    %dma_wait3A_101 = arith.constant 0 : i32
    %dma_wait3A_102 = tpu.memref_slice %arg2[%dma_wait3A_101] : memref<32768xf32, #tpu.memory_space<hbm>> -> memref<32768xf32, #tpu.memory_space<hbm>>
    tpu.wait_indirect_dma semaphore(%arg7 : memref<!tpu.dma_semaphore, #tpu.memory_space<semaphore_mem>>) src(%dma_wait3A_102 : memref<32768xf32, #tpu.memory_space<hbm>>) dst(%dma_wait3A_98 : memref<128xf32, #tpu.memory_space<vmem>>)
    %dma_wait3A_103 = arith.constant 128 : i32
    %dma_wait3A_104 = tpu.memref_slice %arg6[%dma_wait3A_103] : memref<2048xf32, #tpu.memory_space<vmem>> -> memref<128xf32, #tpu.memory_space<vmem>>
    %dma_wait3A_105 = arith.constant 128 : i32
    %dma_wait3A_106 = tpu.memref_slice %arg5[%dma_wait3A_105] : memref<2048xi32, #tpu.memory_space<vmem>> -> memref<128xi32, #tpu.memory_space<vmem>>
    %dma_wait3A_107 = arith.constant 0 : i32
    %dma_wait3A_108 = tpu.memref_slice %arg2[%dma_wait3A_107] : memref<32768xf32, #tpu.memory_space<hbm>> -> memref<32768xf32, #tpu.memory_space<hbm>>
    tpu.wait_indirect_dma semaphore(%arg7 : memref<!tpu.dma_semaphore, #tpu.memory_space<semaphore_mem>>) src(%dma_wait3A_108 : memref<32768xf32, #tpu.memory_space<hbm>>) dst(%dma_wait3A_104 : memref<128xf32, #tpu.memory_space<vmem>>)
    %dma_wait3A_109 = arith.constant 256 : i32
    %dma_wait3A_110 = tpu.memref_slice %arg6[%dma_wait3A_109] : memref<2048xf32, #tpu.memory_space<vmem>> -> memref<128xf32, #tpu.memory_space<vmem>>
    %dma_wait3A_111 = arith.constant 256 : i32
    %dma_wait3A_112 = tpu.memref_slice %arg5[%dma_wait3A_111] : memref<2048xi32, #tpu.memory_space<vmem>> -> memref<128xi32, #tpu.memory_space<vmem>>
    %dma_wait3A_113 = arith.constant 0 : i32
    %dma_wait3A_114 = tpu.memref_slice %arg2[%dma_wait3A_113] : memref<32768xf32, #tpu.memory_space<hbm>> -> memref<32768xf32, #tpu.memory_space<hbm>>
    tpu.wait_indirect_dma semaphore(%arg7 : memref<!tpu.dma_semaphore, #tpu.memory_space<semaphore_mem>>) src(%dma_wait3A_114 : memref<32768xf32, #tpu.memory_space<hbm>>) dst(%dma_wait3A_110 : memref<128xf32, #tpu.memory_space<vmem>>)
    %dma_wait3A_115 = arith.constant 384 : i32
    %dma_wait3A_116 = tpu.memref_slice %arg6[%dma_wait3A_115] : memref<2048xf32, #tpu.memory_space<vmem>> -> memref<128xf32, #tpu.memory_space<vmem>>
    %dma_wait3A_117 = arith.constant 384 : i32
    %dma_wait3A_118 = tpu.memref_slice %arg5[%dma_wait3A_117] : memref<2048xi32, #tpu.memory_space<vmem>> -> memref<128xi32, #tpu.memory_space<vmem>>
    %dma_wait3A_119 = arith.constant 0 : i32
    %dma_wait3A_120 = tpu.memref_slice %arg2[%dma_wait3A_119] : memref<32768xf32, #tpu.memory_space<hbm>> -> memref<32768xf32, #tpu.memory_space<hbm>>
    tpu.wait_indirect_dma semaphore(%arg7 : memref<!tpu.dma_semaphore, #tpu.memory_space<semaphore_mem>>) src(%dma_wait3A_120 : memref<32768xf32, #tpu.memory_space<hbm>>) dst(%dma_wait3A_116 : memref<128xf32, #tpu.memory_space<vmem>>)
    %dma_wait3A_121 = arith.constant 512 : i32
    %dma_wait3A_122 = tpu.memref_slice %arg6[%dma_wait3A_121] : memref<2048xf32, #tpu.memory_space<vmem>> -> memref<128xf32, #tpu.memory_space<vmem>>
    %dma_wait3A_123 = arith.constant 512 : i32
    %dma_wait3A_124 = tpu.memref_slice %arg5[%dma_wait3A_123] : memref<2048xi32, #tpu.memory_space<vmem>> -> memref<128xi32, #tpu.memory_space<vmem>>
    %dma_wait3A_125 = arith.constant 0 : i32
    %dma_wait3A_126 = tpu.memref_slice %arg2[%dma_wait3A_125] : memref<32768xf32, #tpu.memory_space<hbm>> -> memref<32768xf32, #tpu.memory_space<hbm>>
    tpu.wait_indirect_dma semaphore(%arg7 : memref<!tpu.dma_semaphore, #tpu.memory_space<semaphore_mem>>) src(%dma_wait3A_126 : memref<32768xf32, #tpu.memory_space<hbm>>) dst(%dma_wait3A_122 : memref<128xf32, #tpu.memory_space<vmem>>)
    %dma_wait3A_127 = arith.constant 640 : i32
    %dma_wait3A_128 = tpu.memref_slice %arg6[%dma_wait3A_127] : memref<2048xf32, #tpu.memory_space<vmem>> -> memref<128xf32, #tpu.memory_space<vmem>>
    %dma_wait3A_129 = arith.constant 640 : i32
    %dma_wait3A_130 = tpu.memref_slice %arg5[%dma_wait3A_129] : memref<2048xi32, #tpu.memory_space<vmem>> -> memref<128xi32, #tpu.memory_space<vmem>>
    %dma_wait3A_131 = arith.constant 0 : i32
    %dma_wait3A_132 = tpu.memref_slice %arg2[%dma_wait3A_131] : memref<32768xf32, #tpu.memory_space<hbm>> -> memref<32768xf32, #tpu.memory_space<hbm>>
    tpu.wait_indirect_dma semaphore(%arg7 : memref<!tpu.dma_semaphore, #tpu.memory_space<semaphore_mem>>) src(%dma_wait3A_132 : memref<32768xf32, #tpu.memory_space<hbm>>) dst(%dma_wait3A_128 : memref<128xf32, #tpu.memory_space<vmem>>)
    %dma_wait3A_133 = arith.constant 768 : i32
    %dma_wait3A_134 = tpu.memref_slice %arg6[%dma_wait3A_133] : memref<2048xf32, #tpu.memory_space<vmem>> -> memref<128xf32, #tpu.memory_space<vmem>>
    %dma_wait3A_135 = arith.constant 768 : i32
    %dma_wait3A_136 = tpu.memref_slice %arg5[%dma_wait3A_135] : memref<2048xi32, #tpu.memory_space<vmem>> -> memref<128xi32, #tpu.memory_space<vmem>>
    %dma_wait3A_137 = arith.constant 0 : i32
    %dma_wait3A_138 = tpu.memref_slice %arg2[%dma_wait3A_137] : memref<32768xf32, #tpu.memory_space<hbm>> -> memref<32768xf32, #tpu.memory_space<hbm>>
    tpu.wait_indirect_dma semaphore(%arg7 : memref<!tpu.dma_semaphore, #tpu.memory_space<semaphore_mem>>) src(%dma_wait3A_138 : memref<32768xf32, #tpu.memory_space<hbm>>) dst(%dma_wait3A_134 : memref<128xf32, #tpu.memory_space<vmem>>)
    %dma_wait3A_139 = arith.constant 896 : i32
    %dma_wait3A_140 = tpu.memref_slice %arg6[%dma_wait3A_139] : memref<2048xf32, #tpu.memory_space<vmem>> -> memref<128xf32, #tpu.memory_space<vmem>>
    %dma_wait3A_141 = arith.constant 896 : i32
    %dma_wait3A_142 = tpu.memref_slice %arg5[%dma_wait3A_141] : memref<2048xi32, #tpu.memory_space<vmem>> -> memref<128xi32, #tpu.memory_space<vmem>>
    %dma_wait3A_143 = arith.constant 0 : i32
    %dma_wait3A_144 = tpu.memref_slice %arg2[%dma_wait3A_143] : memref<32768xf32, #tpu.memory_space<hbm>> -> memref<32768xf32, #tpu.memory_space<hbm>>
    tpu.wait_indirect_dma semaphore(%arg7 : memref<!tpu.dma_semaphore, #tpu.memory_space<semaphore_mem>>) src(%dma_wait3A_144 : memref<32768xf32, #tpu.memory_space<hbm>>) dst(%dma_wait3A_140 : memref<128xf32, #tpu.memory_space<vmem>>)
    %dma_wait3A_145 = arith.constant 1024 : i32
    %dma_wait3A_146 = tpu.memref_slice %arg6[%dma_wait3A_145] : memref<2048xf32, #tpu.memory_space<vmem>> -> memref<128xf32, #tpu.memory_space<vmem>>
    %dma_wait3A_147 = arith.constant 1024 : i32
    %dma_wait3A_148 = tpu.memref_slice %arg5[%dma_wait3A_147] : memref<2048xi32, #tpu.memory_space<vmem>> -> memref<128xi32, #tpu.memory_space<vmem>>
    %dma_wait3A_149 = arith.constant 0 : i32
    %dma_wait3A_150 = tpu.memref_slice %arg2[%dma_wait3A_149] : memref<32768xf32, #tpu.memory_space<hbm>> -> memref<32768xf32, #tpu.memory_space<hbm>>
    tpu.wait_indirect_dma semaphore(%arg7 : memref<!tpu.dma_semaphore, #tpu.memory_space<semaphore_mem>>) src(%dma_wait3A_150 : memref<32768xf32, #tpu.memory_space<hbm>>) dst(%dma_wait3A_146 : memref<128xf32, #tpu.memory_space<vmem>>)
    %dma_wait3A_151 = arith.constant 1152 : i32
    %dma_wait3A_152 = tpu.memref_slice %arg6[%dma_wait3A_151] : memref<2048xf32, #tpu.memory_space<vmem>> -> memref<128xf32, #tpu.memory_space<vmem>>
    %dma_wait3A_153 = arith.constant 1152 : i32
    %dma_wait3A_154 = tpu.memref_slice %arg5[%dma_wait3A_153] : memref<2048xi32, #tpu.memory_space<vmem>> -> memref<128xi32, #tpu.memory_space<vmem>>
    %dma_wait3A_155 = arith.constant 0 : i32
    %dma_wait3A_156 = tpu.memref_slice %arg2[%dma_wait3A_155] : memref<32768xf32, #tpu.memory_space<hbm>> -> memref<32768xf32, #tpu.memory_space<hbm>>
    tpu.wait_indirect_dma semaphore(%arg7 : memref<!tpu.dma_semaphore, #tpu.memory_space<semaphore_mem>>) src(%dma_wait3A_156 : memref<32768xf32, #tpu.memory_space<hbm>>) dst(%dma_wait3A_152 : memref<128xf32, #tpu.memory_space<vmem>>)
    %dma_wait3A_157 = arith.constant 1280 : i32
    %dma_wait3A_158 = tpu.memref_slice %arg6[%dma_wait3A_157] : memref<2048xf32, #tpu.memory_space<vmem>> -> memref<128xf32, #tpu.memory_space<vmem>>
    %dma_wait3A_159 = arith.constant 1280 : i32
    %dma_wait3A_160 = tpu.memref_slice %arg5[%dma_wait3A_159] : memref<2048xi32, #tpu.memory_space<vmem>> -> memref<128xi32, #tpu.memory_space<vmem>>
    %dma_wait3A_161 = arith.constant 0 : i32
    %dma_wait3A_162 = tpu.memref_slice %arg2[%dma_wait3A_161] : memref<32768xf32, #tpu.memory_space<hbm>> -> memref<32768xf32, #tpu.memory_space<hbm>>
    tpu.wait_indirect_dma semaphore(%arg7 : memref<!tpu.dma_semaphore, #tpu.memory_space<semaphore_mem>>) src(%dma_wait3A_162 : memref<32768xf32, #tpu.memory_space<hbm>>) dst(%dma_wait3A_158 : memref<128xf32, #tpu.memory_space<vmem>>)
    %dma_wait3A_163 = arith.constant 1408 : i32
    %dma_wait3A_164 = tpu.memref_slice %arg6[%dma_wait3A_163] : memref<2048xf32, #tpu.memory_space<vmem>> -> memref<128xf32, #tpu.memory_space<vmem>>
    %dma_wait3A_165 = arith.constant 1408 : i32
    %dma_wait3A_166 = tpu.memref_slice %arg5[%dma_wait3A_165] : memref<2048xi32, #tpu.memory_space<vmem>> -> memref<128xi32, #tpu.memory_space<vmem>>
    %dma_wait3A_167 = arith.constant 0 : i32
    %dma_wait3A_168 = tpu.memref_slice %arg2[%dma_wait3A_167] : memref<32768xf32, #tpu.memory_space<hbm>> -> memref<32768xf32, #tpu.memory_space<hbm>>
    tpu.wait_indirect_dma semaphore(%arg7 : memref<!tpu.dma_semaphore, #tpu.memory_space<semaphore_mem>>) src(%dma_wait3A_168 : memref<32768xf32, #tpu.memory_space<hbm>>) dst(%dma_wait3A_164 : memref<128xf32, #tpu.memory_space<vmem>>)
    %dma_wait3A_169 = arith.constant 1536 : i32
    %dma_wait3A_170 = tpu.memref_slice %arg6[%dma_wait3A_169] : memref<2048xf32, #tpu.memory_space<vmem>> -> memref<128xf32, #tpu.memory_space<vmem>>
    %dma_wait3A_171 = arith.constant 1536 : i32
    %dma_wait3A_172 = tpu.memref_slice %arg5[%dma_wait3A_171] : memref<2048xi32, #tpu.memory_space<vmem>> -> memref<128xi32, #tpu.memory_space<vmem>>
    %dma_wait3A_173 = arith.constant 0 : i32
    %dma_wait3A_174 = tpu.memref_slice %arg2[%dma_wait3A_173] : memref<32768xf32, #tpu.memory_space<hbm>> -> memref<32768xf32, #tpu.memory_space<hbm>>
    tpu.wait_indirect_dma semaphore(%arg7 : memref<!tpu.dma_semaphore, #tpu.memory_space<semaphore_mem>>) src(%dma_wait3A_174 : memref<32768xf32, #tpu.memory_space<hbm>>) dst(%dma_wait3A_170 : memref<128xf32, #tpu.memory_space<vmem>>)
    %dma_wait3A_175 = arith.constant 1664 : i32
    %dma_wait3A_176 = tpu.memref_slice %arg6[%dma_wait3A_175] : memref<2048xf32, #tpu.memory_space<vmem>> -> memref<128xf32, #tpu.memory_space<vmem>>
    %dma_wait3A_177 = arith.constant 1664 : i32
    %dma_wait3A_178 = tpu.memref_slice %arg5[%dma_wait3A_177] : memref<2048xi32, #tpu.memory_space<vmem>> -> memref<128xi32, #tpu.memory_space<vmem>>
    %dma_wait3A_179 = arith.constant 0 : i32
    %dma_wait3A_180 = tpu.memref_slice %arg2[%dma_wait3A_179] : memref<32768xf32, #tpu.memory_space<hbm>> -> memref<32768xf32, #tpu.memory_space<hbm>>
    tpu.wait_indirect_dma semaphore(%arg7 : memref<!tpu.dma_semaphore, #tpu.memory_space<semaphore_mem>>) src(%dma_wait3A_180 : memref<32768xf32, #tpu.memory_space<hbm>>) dst(%dma_wait3A_176 : memref<128xf32, #tpu.memory_space<vmem>>)
    %dma_wait3A_181 = arith.constant 1792 : i32
    %dma_wait3A_182 = tpu.memref_slice %arg6[%dma_wait3A_181] : memref<2048xf32, #tpu.memory_space<vmem>> -> memref<128xf32, #tpu.memory_space<vmem>>
    %dma_wait3A_183 = arith.constant 1792 : i32
    %dma_wait3A_184 = tpu.memref_slice %arg5[%dma_wait3A_183] : memref<2048xi32, #tpu.memory_space<vmem>> -> memref<128xi32, #tpu.memory_space<vmem>>
    %dma_wait3A_185 = arith.constant 0 : i32
    %dma_wait3A_186 = tpu.memref_slice %arg2[%dma_wait3A_185] : memref<32768xf32, #tpu.memory_space<hbm>> -> memref<32768xf32, #tpu.memory_space<hbm>>
    tpu.wait_indirect_dma semaphore(%arg7 : memref<!tpu.dma_semaphore, #tpu.memory_space<semaphore_mem>>) src(%dma_wait3A_186 : memref<32768xf32, #tpu.memory_space<hbm>>) dst(%dma_wait3A_182 : memref<128xf32, #tpu.memory_space<vmem>>)
    %dma_wait3A_187 = arith.constant 1920 : i32
    %dma_wait3A_188 = tpu.memref_slice %arg6[%dma_wait3A_187] : memref<2048xf32, #tpu.memory_space<vmem>> -> memref<128xf32, #tpu.memory_space<vmem>>
    %dma_wait3A_189 = arith.constant 1920 : i32
    %dma_wait3A_190 = tpu.memref_slice %arg5[%dma_wait3A_189] : memref<2048xi32, #tpu.memory_space<vmem>> -> memref<128xi32, #tpu.memory_space<vmem>>
    %dma_wait3A_191 = arith.constant 0 : i32
    %dma_wait3A_192 = tpu.memref_slice %arg2[%dma_wait3A_191] : memref<32768xf32, #tpu.memory_space<hbm>> -> memref<32768xf32, #tpu.memory_space<hbm>>
    tpu.wait_indirect_dma semaphore(%arg7 : memref<!tpu.dma_semaphore, #tpu.memory_space<semaphore_mem>>) src(%dma_wait3A_192 : memref<32768xf32, #tpu.memory_space<hbm>>) dst(%dma_wait3A_188 : memref<128xf32, #tpu.memory_space<vmem>>)
    "tpu.region"() ({
      %run_scoped3A = tpu.sem_alloc : memref<!tpu.dma_semaphore, #tpu.memory_space<semaphore_mem>>
      %dma_start3A_193 = tpu.memref_slice %arg4[%mul3A_2] : memref<65536xf32, #tpu.memory_space<hbm>> -> memref<2048xf32, #tpu.memory_space<hbm>>
      %dma_start3A_194 = tpu.memref_slice %arg4[%mul3A_2] : memref<65536xf32, #tpu.memory_space<hbm>> -> memref<2048xf32, #tpu.memory_space<hbm>>
      tpu.enqueue_dma source(%arg6 : memref<2048xf32, #tpu.memory_space<vmem>>) target(%dma_start3A_194 : memref<2048xf32, #tpu.memory_space<hbm>>) target_semaphore(%run_scoped3A : memref<!tpu.dma_semaphore, #tpu.memory_space<semaphore_mem>>)
      %dma_wait3A_195 = tpu.memref_slice %arg4[%mul3A_2] : memref<65536xf32, #tpu.memory_space<hbm>> -> memref<2048xf32, #tpu.memory_space<hbm>>
      %dma_wait3A_196 = tpu.memref_slice %arg4[%mul3A_2] : memref<65536xf32, #tpu.memory_space<hbm>> -> memref<2048xf32, #tpu.memory_space<hbm>>
      tpu.wait_dma2 semaphore(%run_scoped3A : memref<!tpu.dma_semaphore, #tpu.memory_space<semaphore_mem>>) src(%arg6 : memref<2048xf32, #tpu.memory_space<vmem>>) dst(%dma_wait3A_196 : memref<2048xf32, #tpu.memory_space<hbm>>)
      tpu.yield
    }) : () -> ()
    return
  }
}

module attributes {stable_mosaic.version = 14 : i64} {
  func.func @_proj_body(%arg0: i32, %arg1: memref<4096x768xf32, #tpu.memory_space<vmem>>, %arg2: memref<768x128xf32, #tpu.memory_space<vmem>>, %arg3: memref<1x1xf32, #tpu.memory_space<vmem>>, %arg4: memref<4096x1xf32, #tpu.memory_space<vmem>>) attributes {dimension_semantics = [#tpu.dimension_semantics<parallel>], iteration_bounds = array<i64: 8>, scalar_prefetch = 0 : i64, scratch_operands = 0 : i64, tpu.core_type = #tpu.core_type<tc>, window_params = [{transform_indices = @transform_0, window_bounds = array<i64: 4096, 768>}, {pipeline_mode = #tpu.pipeline_mode<synchronous>, transform_indices = @transform_1, window_bounds = array<i64: 768, 128>}, {pipeline_mode = #tpu.pipeline_mode<synchronous>, transform_indices = @transform_2, window_bounds = array<i64: 1, 1>}, {transform_indices = @transform_3, window_bounds = array<i64: 4096, 1>}]} {
    %get3A = arith.constant 0 : index
    %get3A_0 = arith.constant 0 : index
    %get3A_1 = vector.load %arg1[%get3A, %get3A_0] : memref<4096x768xf32, #tpu.memory_space<vmem>>, vector<4096x768xf32>
    %get3A_2 = arith.constant 0 : index
    %get3A_3 = arith.constant 0 : index
    %get3A_4 = vector.load %arg2[%get3A_2, %get3A_3] : memref<768x128xf32, #tpu.memory_space<vmem>>, vector<768x128xf32>
    %dot_general3A = arith.constant dense<0.000000e+00> : vector<4096x128xf32>
    %dot_general3A_5 = tpu.matmul %get3A_1, %get3A_4, %dot_general3A {dimension_numbers = #tpu.dot_dimension_numbers<[1], [0], [0], [1], [0, 0, 1, 1], [], []>, transpose_lhs_hint = false} : vector<4096x768xf32>, vector<768x128xf32>, vector<4096x128xf32> -> vector<4096x128xf32>
    %slice3A = vector.extract_strided_slice %dot_general3A_5 {offsets = [0, 0], sizes = [4096, 1], strides = [1, 1]} : vector<4096x128xf32> to vector<4096x1xf32>
    %get3A_6 = arith.constant 0 : index
    %get3A_7 = arith.constant 0 : index
    %get3A_8 = vector.load %arg3[%get3A_6, %get3A_7] : memref<1x1xf32, #tpu.memory_space<vmem>>, vector<1x1xf32>
    %get3A_9 = vector.extract %get3A_8[0, 0] : f32 from vector<1x1xf32>
    %add3A = vector.broadcast %get3A_9 : f32 to vector<4096x1xf32>
    %add3A_10 = arith.addf %slice3A, %add3A : vector<4096x1xf32>
    %swap3A = arith.constant 0 : index
    %swap3A_11 = arith.constant 0 : index
    %swap3A_12 = vector.load %arg4[%swap3A, %swap3A_11] : memref<4096x1xf32, #tpu.memory_space<vmem>>, vector<4096x1xf32>
    tpu.vector_store %arg4[%swap3A, %swap3A_11], %add3A_10 {strides = array<i32>} : memref<4096x1xf32, #tpu.memory_space<vmem>>, vector<4096x1xf32>,
    return
  }
  func.func @transform_0(%arg0: i32) -> (i32, i32) {
    %c0_i32 = arith.constant 0 : i32
    %c0_i32_0 = arith.constant 0 : i32
    return %arg0, %c0_i32 : i32, i32
  }
  func.func @transform_1(%arg0: i32) -> (i32, i32) {
    %c0_i32 = arith.constant 0 : i32
    %c0_i32_0 = arith.constant 0 : i32
    %c0_i32_1 = arith.constant 0 : i32
    return %c0_i32, %c0_i32_0 : i32, i32
  }
  func.func @transform_2(%arg0: i32) -> (i32, i32) {
    %c0_i32 = arith.constant 0 : i32
    %c0_i32_0 = arith.constant 0 : i32
    %c0_i32_1 = arith.constant 0 : i32
    return %c0_i32, %c0_i32_0 : i32, i32
  }
  func.func @transform_3(%arg0: i32) -> (i32, i32) {
    %c0_i32 = arith.constant 0 : i32
    %c0_i32_0 = arith.constant 0 : i32
    return %arg0, %c0_i32 : i32, i32
  }
}

module attributes {stable_mosaic.version = 14 : i64} {
  func.func @_loss_body(%arg0: memref<512x128xf32, #tpu.memory_space<vmem>>, %arg1: memref<512x128xf32, #tpu.memory_space<vmem>>, %arg2: memref<1x1xf32, #tpu.memory_space<smem>>) attributes {dimension_semantics = [], scalar_prefetch = 0 : i64, scratch_operands = 0 : i64, tpu.core_type = #tpu.core_type<tc>} {
    %get3A = arith.constant 0 : index
    %get3A_0 = arith.constant 0 : index
    %get3A_1 = vector.load %arg0[%get3A, %get3A_0] : memref<512x128xf32, #tpu.memory_space<vmem>>, vector<512x128xf32>
    %get3A_2 = arith.constant 0 : index
    %get3A_3 = arith.constant 0 : index
    %get3A_4 = vector.load %arg1[%get3A_2, %get3A_3] : memref<512x128xf32, #tpu.memory_space<vmem>>, vector<512x128xf32>
    %max3A = arith.constant 0.000000e+00 : f32
    %max3A_5 = vector.broadcast %max3A : f32 to vector<512x128xf32>
    %max3A_6 = arith.maximumf %get3A_1, %max3A_5 : vector<512x128xf32>
    %mul3A = arith.mulf %get3A_1, %get3A_4 : vector<512x128xf32>
    %sub3A = arith.subf %max3A_6, %mul3A : vector<512x128xf32>
    %abs3A = math.absf %get3A_1 : vector<512x128xf32>
    %neg3A = arith.constant 0.000000e+00 : f32
    %neg3A_7 = vector.broadcast %neg3A : f32 to vector<512x128xf32>
    %neg3A_8 = arith.subf %neg3A_7, %abs3A : vector<512x128xf32>
    %exp3A = math.exp %neg3A_8 : vector<512x128xf32>
    %log1p3A = math.log1p %exp3A : vector<512x128xf32>
    %add3A = arith.addf %sub3A, %log1p3A : vector<512x128xf32>
    %reduce_sum3A = vector.shape_cast %add3A : vector<512x128xf32> to vector<1x512x128xf32>
    %reduce_sum3A_9 = arith.constant dense<0.000000e+00> : vector<1xf32>
    %reduce_sum3A_10 = vector.multi_reduction <add>, %reduce_sum3A, %reduce_sum3A_9 [1, 2] : vector<1x512x128xf32> to vector<1xf32>
    %reduce_sum3A_11 = vector.shape_cast %reduce_sum3A_10 : vector<1xf32> to vector<1x1x1xf32>
    %reduce_sum3A_12 = vector.extract %reduce_sum3A_11[0, 0, 0] : f32 from vector<1x1x1xf32>
    %swap3A = arith.constant 0 : index
    %swap3A_13 = arith.constant 0 : index
    %swap3A_14 = memref.load %arg2[%swap3A, %swap3A_13] : memref<1x1xf32, #tpu.memory_space<smem>>
    memref.store %reduce_sum3A_12, %arg2[%swap3A, %swap3A_13] : memref<1x1xf32, #tpu.memory_space<smem>>
    return
  }
}

</mosaic_0001>

<sc_bundles>
// kernel: kernel.5.cloned.1.call-start
scs
__scs_entry_jumppad:
0x0: {  	(pc) =	sbr.rel $0x88, $3  }
0x1: {  	(tag) =	ssettag $0x0;
	lr =	simm.s32 $0x1  }
0x2: {  	[smem:$0x3F9C] =	sst lr;
	_ =	strace $0xD0000000  }
0x3: {  	_ = 	snop  }
0x4: {  	_ = 	snop  }
0x5: {  	_ = 	snop  }
0x6: {  	_ = 	snop  }
0x7: {  	_ = 	snop  }
__scs_overlays_trampoline_lowered:
0x8: {  	[smem:$0x3FAB] =	sst s0  }
0x9: {  	[smem:$0x3FAC] =	sst s1  }
0xa: {  	[smem:$0x3FAD] =	sst s2  }
0xb: {  	[smem:$0x3FAE] =	sst s3  }
0xc: {  	[smem:$0x3FAF] =	sst s4  }
0xd: {  	[smem:$0x3FB0] =	sst s5  }
0xe: {  	[smem:$0x3FB1] =	sst s6  }
0xf: {  	[smem:$0x3FB2] =	sst s7  }
0x10: {  	[smem:$0x3FB3] =	sst s8  }
0x11: {  	[smem:$0x3FB4] =	sst s9;
	s0 =	simm.s32 @!p0 $0x0  }
0x12: {  	s1 =	sld [smem:$0x3F9A];
	s0 =	simm.s32 @p0 $0x1  }
0x13: {  	[smem:$0x3FB5] =	sst s0;
	s0 =	simm.s32 @!p1 $0x0  }
0x14: {  	s2 =	sld [smem:$0x3F99];
	s0 =	simm.s32 @p1 $0x1  }
0x15: {  	[smem:$0x3FB6] =	sst s0;
	s0 =	simm.s32 @!p2 $0x0  }
0x16: {  	s3 =	sld [smem:$0x3FDB];
	s0 =	simm.s32 @p2 $0x1  }
0x17: {  	s4 =	simm.s32 $0x1BF5;
	[smem:$0x3FB8] =	sst s0  }
0x18: {  	s0 =	sld [smem:$0x3F9B];
	_ =	swait.ge [sflag:s4], $0x0  }
0x19: {  	s7 =	sld [smem:$0x3F9C]  }
0x1a: {  	s8 =	sadd.s32 $0xFFFFE003, lr  }
0x1b: {  	s9 =	sadd.s32 $0xFFFFFEF7, lr;
	s5 =	simm.s32 $0xFFFFFFFF;
	p2 =	slt.u32 s8, $0xFFFFF086  }
0x1c: {  	p1 =	slt.u32 s9, $0xF7A;
	s5 =	simm.s32 @!p2 $0x0  }
0x1d: {  	s5 =	simm.s32 @p1 $0x1;
	p0 =	seq.s32 s7, s2  }
0x1e: {  	s7 =	smul.u32 @!p0 $0xF7A, s2;
	p2 =	seq.s32 @!p0 s5, $0x0  }
0x1f: {  	s9 =	smul.u32 $0xF7A, s1;
	s8 =	simm.s32 @!p0 $0x1BF5;
	p2 =	por !p2, p0  }
0x20: {  	[sflag:s8] =	ssyncset.s32 @!p0 $0xFFFFF086;
	s6 =	sadd.s32 @!p0 s3, s7;
	s7 =	simm.s32 @!p0 $0x108  }
0x21: {  	s3 =	sadd.s32 s3, s9;
	s6 =	sadd.s32 @!p0 $0x88, s6;
	s7 =	simm.s32 @p2 $0x1082  }
0x22: {  	[simem:s7], [sflag:s8] =	dma.local @!p0 [hbm:s6], $0xF7A  }
0x23: {  	s9 =	sor.u32 $0xD0000000, s2;
	s6 =	simm.s32 $0x108;
	_ =	swait.ge @!p0 [sflag:s8], $0x0  }
0x24: {  	s3 =	sadd.s32 $0x88, s3;
	s6 =	simm.s32 @!p1 $0x1082;
	[sflag:s4] =	ssyncset.s32 $0xFFFFF086  }
0x25: {  	[simem:s6], [sflag:s4] =	dma.local [hbm:s3], $0xF7A  }
0x26: {  	[smem:$0x3F9C] =	sst s1;
	(tag) =	ssettag s2;
	_ =	strace s9  }
0x27: {  	s1 =	sld [smem:$0x3FAC]  }
0x28: {  	s2 =	sld [smem:$0x3FAD]  }
0x29: {  	s4 =	sld [smem:$0x3FAF]  }
0x2a: {  	p0 =	seq.s32 s5, $0x0;
	s5 =	sld [smem:$0x3FB0]  }
0x2b: {  	s6 =	sld [smem:$0x3FB1]  }
0x2c: {  	s7 =	sld [smem:$0x3FB2]  }
0x2d: {  	s3 =	simm.s32 $0x108;
	s8 =	sld [smem:$0x3FB3]  }
0x2e: {  	s3 =	simm.s32 @!p0 $0x1082;
	s9 =	sld [smem:$0x3FB4]  }
0x2f: {  	lr =	sadd.s32 s0, s3;
	s0 =	sld [smem:$0x3FAB]  }
0x30: {  	s3 =	sld [smem:$0x3FAE]  }
0x31: {  	[smem:$0x3FB7] =	sst s10  }
0x32: {  	s10 =	sld [smem:$0x3FB5];
	_ =	sdelay $0x3  }
0x33: {  	p0 =	seq.s32 s10, $0x1;
	s10 =	sld [smem:$0x3FB7];
	_ =	sdelay $0x3  }
0x34: {  	[smem:$0x3FB7] =	sst s10  }
0x35: {  	s10 =	sld [smem:$0x3FB6];
	_ =	sdelay $0x3  }
0x36: {  	p1 =	seq.s32 s10, $0x1;
	s10 =	sld [smem:$0x3FB7];
	_ =	sdelay $0x3  }
0x37: {  	[smem:$0x3FB7] =	sst s10  }
0x38: {  	s10 =	sld [smem:$0x3FB8]  }
0x39: {  	_ = 	snop;
	(pc) =	sbr.ind lr, $3  }
0x3a: {  	_ = 	snop  }
0x3b: {  	_ = 	snop  }
0x3c: {  	p2 =	seq.s32 s10, $0x1;
	s10 =	sld [smem:$0x3FB7]  }
0x3d: {  	_ =	shalt  }
0x3e: {  	_ =	shalt  }
0x3f: {  	_ =	shalt  }
0x40: {  	_ =	shalt  }
0x41: {  	_ =	shalt  }
0x42: {  	_ =	shalt  }
0x43: {  	_ =	shalt  }
0x44: {  	_ =	shalt  }
0x45: {  	_ =	shalt  }
0x46: {  	_ =	shalt  }
0x47: {  	_ =	shalt  }
0x48: {  	_ =	shalt  }
0x49: {  	_ =	shalt  }
0x4a: {  	_ =	shalt  }
0x4b: {  	_ =	shalt  }
0x4c: {  	_ =	shalt  }
0x4d: {  	_ =	shalt  }
0x4e: {  	_ =	shalt  }
0x4f: {  	_ =	shalt  }
0x50: {  	_ =	shalt  }
0x51: {  	_ =	shalt  }
0x52: {  	_ =	shalt  }
0x53: {  	_ =	shalt  }
0x54: {  	_ =	shalt  }
0x55: {  	_ =	shalt  }
0x56: {  	_ =	shalt  }
0x57: {  	_ =	shalt  }
0x58: {  	_ =	shalt  }
0x59: {  	_ =	shalt  }
0x5a: {  	_ =	shalt  }
0x5b: {  	_ =	shalt  }
0x5c: {  	_ =	shalt  }
0x5d: {  	_ =	shalt  }
0x5e: {  	_ =	shalt  }
0x5f: {  	_ =	shalt  }
0x60: {  	_ =	shalt  }
0x61: {  	_ =	shalt  }
0x62: {  	_ =	shalt  }
0x63: {  	_ =	shalt  }
0x64: {  	_ =	shalt  }
0x65: {  	_ =	shalt  }
0x66: {  	_ =	shalt  }
0x67: {  	_ =	shalt  }
0x68: {  	_ =	shalt  }
0x69: {  	_ =	shalt  }
0x6a: {  	_ =	shalt  }
0x6b: {  	_ =	shalt  }
0x6c: {  	_ =	shalt  }
0x6d: {  	_ =	shalt  }
0x6e: {  	_ =	shalt  }
0x6f: {  	_ =	shalt  }
0x70: {  	_ =	shalt  }
0x71: {  	_ =	shalt  }
0x72: {  	_ =	shalt  }
0x73: {  	_ =	shalt  }
0x74: {  	_ =	shalt  }
0x75: {  	_ =	shalt  }
0x76: {  	_ =	shalt  }
0x77: {  	_ =	shalt  }
0x78: {  	_ =	shalt  }
0x79: {  	_ =	shalt  }
0x7a: {  	_ =	shalt  }
0x7b: {  	_ =	shalt  }
0x7c: {  	_ =	shalt  }
0x7d: {  	_ =	shalt  }
0x7e: {  	_ =	shalt  }
0x7f: {  	_ =	shalt  }
0x80: {  	_ =	shalt  }
0x81: {  	_ =	shalt  }
0x82: {  	_ =	shalt  }
0x83: {  	_ =	shalt  }
0x84: {  	_ =	shalt  }
0x85: {  	_ =	shalt  }
0x86: {  	_ =	shalt  }
0x87: {  	_ =	shalt  }
.Lfunc_end0:
.L_simem_size_0:
called_computation_lowered:
.L_overlay_start_0:
0x88: {  	s2 =	sld [smem:$0x3FD9]  }
0x89: {  	s3 =	sld [smem:$0x3FFE];
	_ =	sdelay $0x1  }
0x8a: {  	s1 =	srdreg.scid  }
0x8b: {  	s0 =	sand.u32 $0x1, s1  }
0x8c: {  	s14 =	sshll.u32 s0, $0xA;
	s2 =	sadd.s32 s3, s2  }
0x8d: {  	s2 =	sadd.s32 s2, s14  }
0x8e: {  	[smem:$0x3FC3] =	sst s2  }
0x8f: {  	_ = 	snop  }
0x90: {  	s2 =	sld [smem:$0x3FD0];
	_ =	sdelay $0x2  }
0x91: {  	s4 =	simm.s32 $0xA;
	s5 =	simm.s32 $0x10;
	s15 =	sld [smem:$0x3FC8]  }
0x92: {  	[smem:s5], [sflag:s4] =	dma.local [hbm:s2], $0x1  }
0x93: {  	_ =	swait.eq [sflag:s4], $0x1  }
0x94: {  	[sflag:s4] =	ssyncset.done $0x0  }
0x95: {  	[sflag:s4] =	ssyncadd.s32 $0xFFFFFFFF  }
0x96: {  	s16 =	sld [smem:$0x10];
	(tm) =	ssettm $0x1  }
0x97: {  	s17 =	sld [smem:$0x3FFB];
	_ =	sdelay $0x3  }
0x98: {  	_ =	strace s17  }
0x99: {  	s4 =	sld [smem:$0x3FFC];
	_ =	sdelay $0x3  }
0x9a: {  	_ =	strace s4  }
0x9b: {  	s4 =	sld [smem:$0x3FFD];
	_ =	sdelay $0x3  }
0x9c: {  	_ =	strace s4  }
0x9d: {  	_ =	strace $0x8FFFFFFF  }
0x9e: {  	s18 =	sld [smem:$0x3FDB];
	_ =	sdelay $0x1  }
0x9f: {  	s19 =	simm.s32 $_scs_section_size  }
0xa0: {  	s6 =	simm.s32 $_size__tile_overlayer_lowered;
	s7 =	simm.s32 $_tile_overlayer_lowered  }
0xa1: {  	s22 =	simm.s32 $0x1BFF;
	s21 =	sshll.u32 s7, $0x1;
	s4 =	sadd.s32 s19, s18  }
0xa2: {  	s8 =	simm.s32 $0x0;
	s20 =	sshll.u32 s6, $0x1;
	s6 =	sadd.s32 s21, s4  }
0xa3: {  	[timem:s8], [sflag:s22] =	dma.local [hbm:s6], s20  }
0xa4: {  	_ =	swait.ge [sflag:s22], s20  }
0xa5: {  	s5 =	ssub.s32 $0x0, s20;
	[sflag:s22] =	ssyncset.done $0x0  }
0xa6: {  	[sflag:s22] =	ssyncadd.s32 s5;
	_ =	sdelay $0x1  }
0xa7: {  	s23 =	simm.s32 $0x1B8B  }
0xa8: {  	_ =	swait.ge [sflag:s23], $0x1  }
0xa9: {  	[sflag:s23] =	ssyncset.done $0x0  }
0xaa: {  	s25 =	simm.s32 $0x1B8E;
	s24 =	sld [smem:$0x3FFE];
	[sflag:s23] =	ssyncadd.s32 $0xFFFFFFFF  }
0xab: {  	s26 =	simm.s32 $execute0_lowered;
	[smem:$0x3FD2] =	sst s25  }
0xac: {  	s6 =	sshll.u32 s26, $0x1;
	_ =	strace $0x80000046;
	[dreg:$0x1] =	wrdreg $0xFFFFFFFF  }
0xad: {  	s28 =	simm.s32 $_size_execute0_lowered;
	s4 =	sadd.s32 s4, s6;
	[dreg:$0x0] =	wrdreg $0x0  }
0xae: {  	s6 =	sshll.u32 s28, $0x1;
	[dreg:$0x2] =	wrdreg s4  }
0xaf: {  	[dreg:$0x3] =	wrdreg s6  }
0xb0: {  	[dreg:$0x4] =	wrdreg $0xC0  }
0xb1: {  	_ =	task [dreg:s8], $0x5FFFF  }
0xb2: {  	[dreg:$0x1] =	wrdreg $0xFFFFFFFF  }
0xb3: {  	[dreg:$0x0] =	wrdreg $0x60  }
0xb4: {  	[dreg:$0x2] =	wrdreg s24  }
0xb5: {  	[dreg:$0x3] =	wrdreg s15  }
0xb6: {  	[dreg:$0x4] =	wrdreg s16  }
0xb7: {  	[dreg:$0x5] =	wrdreg $0x9  }
0xb8: {  	_ =	task.clear_ibuf [dreg:s8], $0x6FFFF;
	_ =	strace $0x90000046  }
0xb9: {  	s29 =	simm.s32 $0x9;
	_ =	strace $0x80000048  }
0xba: {  	_ =	swait.ge [sflag:s29], $0x1  }
0xbb: {  	[sflag:s29] =	ssyncadd.s32 $0xFFFFFFFF  }
0xbc: {  	_ =	strace $0x90000048  }
0xbd: {  	_ =	sfence  }
0xbe: {  	s30 =	sld [smem:$0x0];
	_ =	sdelay $0x2  }
0xbf: {  	s31 =	sshll.u32 s1, $0xD;
	s1 =	sshrl.u32 s1, $0x2  }
0xc0: {  	s3 =	sand.u32 $0x4000, s31;
	s1 =	sadd.s32 s1, s30  }
0xc1: {  	s0 =	sor.u32 s3, s0;
	s1 =	sshll.u32 s1, $0x11  }
0xc2: {  	s0 =	sor.u32 s1, s0  }
0xc3: {  	s0 =	sadd.s32 $0x8F2B, s0  }
0xc4: {  	[sflag:s0] =	ssyncadd.remote.s32 $0x1  }
0xc5: {  	_ =	sfence.sel $0xFFFF  }
0xc6: {  	[dreg:$0x0] =	wrdreg $0xFFFFFFFF;
	(pc) =	sbr.abs _section_cstart, $3  }
0xc7: {  	[dreg:$0x1] =	wrdreg $0xFFFFFFFF  }
0xc8: {  	_ =	task.clear_ibuf [dreg:s8], $0x2FFFF;
	_ =	strace $0x9FFFFFFF  }
0xc9: {  	(tm) =	ssettm $0x7FFFFFFF  }
tec
execute0_lowered:
.L_overlay_start_1:
0x0: {  	(tag) =	ssettag $0x1  }
0x1: {  	s5 =	rddreg [dreg:$0x0]  }
0x2: {  	s0 =	rddreg [dreg:$0x1]  }
0x3: {  	s3 =	rddreg [dreg:$0x2]  }
0x4: {  	s2 =	srdreg.scid;
	s1 =	stileid.u32;
	s8 =	simm.s32 $0x900  }
0x5: {  	s9 =	simm.s32 $0x180;
	s25 =	simm.s32 $0x980;
	s26 =	simm.s32 $0x200  }
0x6: {  	s11 =	simm.s32 $0x300;
	s12 =	simm.s32 $0xB00;
	s13 =	simm.s32 $0x380  }
0x7: {  	s14 =	simm.s32 $0xB80;
	s15 =	simm.s32 $0x400;
	s16 =	simm.s32 $0xC00  }
0x8: {  	s17 =	simm.s32 $0x480;
	s18 =	simm.s32 $0xC80;
	s19 =	simm.s32 $0x500  }
0x9: {  	s20 =	simm.s32 $0xD00;
	s21 =	simm.s32 $0x580;
	s22 =	simm.s32 $0xD80  }
0xa: {  	s23 =	simm.s32 $0x600;
	s4 =	sand.u32 $0x1, s2;
	s2 =	simm.s32 $0x0  }
0xb: {  	s6 =	sshll.u32 s1, $0x9;
	s7 =	sshll.u32 s4, $0x8;
	[smem:$0x7FF] =	sst s2  }
0xc: {  	s24 =	simm.s32 $0xE00;
	s6 =	sor.u32 s7, s6;
	_ =	strace $0x80000047  }
0xd: {  	s0 =	sadd.s32 s0, s6;
	s1 =	sadd.s32 s3, s6;
	s6 =	ssub.s32 $0x2, s4  }
0xe: {  	[dreg:$0x8] =	wrdreg s8;
	s3 =	simm.s32 $0x880;
	s4 =	sshrl.u32 s6, $0x1  }
0xf: {  	p0 =	por $0x0, $0x0;
	[dreg:$0x6] =	wrdreg s3;
	s3 =	ssub.s32 s6, s4  }
0x10: {  	s28 =	simm.s32 $0x700;
	[dreg:$0x9] =	wrdreg s9;
	s10 =	smax.u32 s3, $0x1  }
0x11: {  	s29 =	simm.s32 $0xF00;
	[dreg:$0xa] =	wrdreg s25;
	p1 =	sne.s32 s10, $0x1  }
.Ltmp0:
0x12: {  	s7 =	simm.s32 $0x100;
	[dreg:$0xb] =	wrdreg s26;
	(pc) =	sbr.rel @!p1 .LBB2_3-.Ltmp0, $4  }
0x13: {  	s30 =	simm.s32 $0x780;
	s31 =	simm.s32 $0xF80;
	[dreg:$0x7] =	wrdreg s7  }
0x14: {  	s25 =	simm.s32 $0x680;
	s26 =	simm.s32 $0xE80;
	[dreg:$0x4] =	wrdreg s0  }
0x15: {  	s7 =	simm.s32 $0x80;
	[dreg:$0x5] =	wrdreg s1;
	s4 =	simm.s32 $0x800  }
0x16: {  	s6 =	simm.s32 $0x1;
	s3 =	simm.s32 $0x2;
	s0 =	sadd.s32 $0xFFFFFFFF, s10  }
0x17: {  	s1 =	rddreg [dreg:$0x4]  }
0x18: {  	[tilespmem:s2], [sflag:$0x2] =	stream.linear.gather [hbm4b:s1+s2], $0x800, $0x38;
	[tilespmem:$0x1000] =	vst v63  }
0x19: {  	_ =	swait.ge [sflag:s3], $0x800  }
0x1a: {  	s10 =	rddreg [dreg:$0x7]  }
0x1b: {  	s1 =	rddreg [dreg:$0x8]  }
0x1c: {  	s8 =	rddreg [dreg:$0xa]  }
0x1d: {  	[dreg:$0xc] =	wrdreg s10  }
0x1e: {  	[sflag:s3] =	ssyncset.done $0x0;
	s10 =	smov.u32 s0;
	s0 =	rddreg [dreg:$0x6]  }
0x1f: {  	[sflag:s3] =	ssyncadd.s32 $0xFFFFF800;
	[dreg:$0xd] =	wrdreg s8  }
0x20: {  	[tilespmem:s4], [sflag:$0x1] =	stream.indirect.gather [hbm4b:s5+s7], $0x1, s2, s7, $0xb8;
	[tilespmem:$0x1000] =	vst v63  }
0x21: {  	s8 =	rddreg [dreg:$0xc]  }
0x22: {  	[tilespmem:s0], [sflag:$0x1] =	stream.indirect.gather [hbm4b:s5+s7], $0x1, s7, s7, $0xb8;
	[tilespmem:$0x1000] =	vst v63  }
0x23: {  	s0 =	rddreg [dreg:$0x9]  }
0x24: {  	[tilespmem:s1], [sflag:$0x1] =	stream.indirect.gather [hbm4b:s5+s7], $0x1, s8, s7, $0xb8;
	[tilespmem:$0x1000] =	vst v63  }
0x25: {  	s8 =	rddreg [dreg:$0xd]  }
0x26: {  	[tilespmem:s8], [sflag:$0x1] =	stream.indirect.gather [hbm4b:s5+s7], $0x1, s0, s7, $0xb8;
	[tilespmem:$0x1000] =	vst v63  }
0x27: {  	s9 =	simm.s32 $0xA00;
	s1 =	rddreg [dreg:$0xb]  }
0x28: {  	[tilespmem:s9], [sflag:$0x1] =	stream.indirect.gather [hbm4b:s5+s7], $0x1, s1, s7, $0xb8;
	[tilespmem:$0x1000] =	vst v63  }
0x29: {  	s8 =	simm.s32 $0x280;
	s1 =	simm.s32 $0xA80  }
0x2a: {  	[tilespmem:s1], [sflag:$0x1] =	stream.indirect.gather [hbm4b:s5+s7], $0x1, s8, s7, $0xb8;
	[tilespmem:$0x1000] =	vst v63  }
0x2b: {  	_ = 	snop  }
0x2c: {  	[tilespmem:s12], [sflag:$0x1] =	stream.indirect.gather [hbm4b:s5+s7], $0x1, s11, s7, $0xb8;
	[tilespmem:$0x1000] =	vst v63  }
0x2d: {  	_ = 	snop  }
0x2e: {  	[tilespmem:s14], [sflag:$0x1] =	stream.indirect.gather [hbm4b:s5+s7], $0x1, s13, s7, $0xb8;
	[tilespmem:$0x1000] =	vst v63  }
0x2f: {  	_ = 	snop  }
0x30: {  	[tilespmem:s16], [sflag:$0x1] =	stream.indirect.gather [hbm4b:s5+s7], $0x1, s15, s7, $0xb8;
	[tilespmem:$0x1000] =	vst v63  }
0x31: {  	_ = 	snop  }
0x32: {  	[tilespmem:s18], [sflag:$0x1] =	stream.indirect.gather [hbm4b:s5+s7], $0x1, s17, s7, $0xb8;
	[tilespmem:$0x1000] =	vst v63  }
0x33: {  	_ = 	snop  }
0x34: {  	[tilespmem:s20], [sflag:$0x1] =	stream.indirect.gather [hbm4b:s5+s7], $0x1, s19, s7, $0xb8;
	[tilespmem:$0x1000] =	vst v63  }
0x35: {  	_ = 	snop  }
0x36: {  	[tilespmem:s22], [sflag:$0x1] =	stream.indirect.gather [hbm4b:s5+s7], $0x1, s21, s7, $0xb8;
	[tilespmem:$0x1000] =	vst v63  }
0x37: {  	_ = 	snop  }
0x38: {  	[tilespmem:s24], [sflag:$0x1] =	stream.indirect.gather [hbm4b:s5+s7], $0x1, s23, s7, $0xb8;
	[tilespmem:$0x1000] =	vst v63  }
0x39: {  	_ = 	snop  }
0x3a: {  	[tilespmem:s26], [sflag:$0x1] =	stream.indirect.gather [hbm4b:s5+s7], $0x1, s25, s7, $0xb8;
	[tilespmem:$0x1000] =	vst v63  }
0x3b: {  	_ = 	snop  }
0x3c: {  	[tilespmem:s29], [sflag:$0x1] =	stream.indirect.gather [hbm4b:s5+s7], $0x1, s28, s7, $0xb8;
	[tilespmem:$0x1000] =	vst v63  }
0x3d: {  	_ = 	snop  }
0x3e: {  	[tilespmem:s31], [sflag:$0x1] =	stream.indirect.gather [hbm4b:s5+s7], $0x1, s30, s7, $0xb8;
	[tilespmem:$0x1000] =	vst v63  }
0x3f: {  	_ =	swait.ge [sflag:s6], $0x80  }
0x40: {  	[sflag:s6] =	ssyncset.done $0x0  }
0x41: {  	[sflag:s6] =	ssyncadd.s32 $0xFFFFFF80  }
0x42: {  	_ =	swait.ge [sflag:s6], $0x80  }
0x43: {  	[sflag:s6] =	ssyncset.done $0x0  }
0x44: {  	[sflag:s6] =	ssyncadd.s32 $0xFFFFFF80  }
0x45: {  	_ =	swait.ge [sflag:s6], $0x80  }
0x46: {  	[sflag:s6] =	ssyncset.done $0x0  }
0x47: {  	[sflag:s6] =	ssyncadd.s32 $0xFFFFFF80  }
0x48: {  	_ =	swait.ge [sflag:s6], $0x80  }
0x49: {  	[sflag:s6] =	ssyncset.done $0x0  }
0x4a: {  	[sflag:s6] =	ssyncadd.s32 $0xFFFFFF80  }
0x4b: {  	_ =	swait.ge [sflag:s6], $0x80  }
0x4c: {  	[sflag:s6] =	ssyncset.done $0x0  }
0x4d: {  	[sflag:s6] =	ssyncadd.s32 $0xFFFFFF80  }
0x4e: {  	_ =	swait.ge [sflag:s6], $0x80  }
0x4f: {  	[sflag:s6] =	ssyncset.done $0x0  }
0x50: {  	[sflag:s6] =	ssyncadd.s32 $0xFFFFFF80  }
0x51: {  	_ =	swait.ge [sflag:s6], $0x80  }
0x52: {  	[sflag:s6] =	ssyncset.done $0x0  }
0x53: {  	[sflag:s6] =	ssyncadd.s32 $0xFFFFFF80  }
0x54: {  	_ =	swait.ge [sflag:s6], $0x80  }
0x55: {  	[sflag:s6] =	ssyncset.done $0x0  }
0x56: {  	[sflag:s6] =	ssyncadd.s32 $0xFFFFFF80  }
0x57: {  	_ =	swait.ge [sflag:s6], $0x80  }
0x58: {  	[sflag:s6] =	ssyncset.done $0x0  }
0x59: {  	[sflag:s6] =	ssyncadd.s32 $0xFFFFFF80  }
0x5a: {  	_ =	swait.ge [sflag:s6], $0x80  }
0x5b: {  	[sflag:s6] =	ssyncset.done $0x0  }
0x5c: {  	[sflag:s6] =	ssyncadd.s32 $0xFFFFFF80  }
0x5d: {  	_ =	swait.ge [sflag:s6], $0x80  }
0x5e: {  	[sflag:s6] =	ssyncset.done $0x0  }
0x5f: {  	[sflag:s6] =	ssyncadd.s32 $0xFFFFFF80  }
0x60: {  	_ =	swait.ge [sflag:s6], $0x80  }
0x61: {  	[sflag:s6] =	ssyncset.done $0x0  }
0x62: {  	[sflag:s6] =	ssyncadd.s32 $0xFFFFFF80  }
0x63: {  	_ =	swait.ge [sflag:s6], $0x80  }
0x64: {  	[sflag:s6] =	ssyncset.done $0x0  }
0x65: {  	[sflag:s6] =	ssyncadd.s32 $0xFFFFFF80  }
0x66: {  	_ =	swait.ge [sflag:s6], $0x80  }
0x67: {  	[sflag:s6] =	ssyncset.done $0x0  }
0x68: {  	[sflag:s6] =	ssyncadd.s32 $0xFFFFFF80  }
0x69: {  	_ =	swait.ge [sflag:s6], $0x80  }
0x6a: {  	p1 =	sne.s32 s10, $0x1;
	[sflag:s6] =	ssyncset.done $0x0  }
.Ltmp1:
0x6b: {  	[sflag:s6] =	ssyncadd.s32 $0xFFFFFF80;
	(pc) =	sbr.rel @!p1 .LBB2_3-.Ltmp1, $4  }
0x6c: {  	_ =	swait.ge [sflag:s6], $0x80  }
0x6d: {  	p0 =	por $0x1, $0x1;
	[sflag:s6] =	ssyncset.done $0x0  }
0x6e: {  	s0 =	sadd.s32 $0xFFFFFFFF, s10;
	s9 =	rddreg [dreg:$0x5];
	[sflag:s6] =	ssyncadd.s32 $0xFFFFFF80  }
0x6f: {  	[hbm4b:s9+s2] =	stream.linear.scatter [tilespmem:s4], [sflag:$0x2], $0x800, $0x38;
	[tilespmem:$0x1000] =	vst v63  }
.LBB2_2:
0x70: {  	_ =	swait.ge [sflag:s3], $0x800  }
0x71: {  	[sflag:s3] =	ssyncset.done $0x0  }
0x72: {  	s1 =	rddreg [dreg:$0x4];
	[sflag:s3] =	ssyncadd.s32 $0xFFFFF800  }
0x73: {  	[tilespmem:s2], [sflag:$0x2] =	stream.linear.gather [hbm4b:s1+s2], $0x800, $0x38;
	[tilespmem:$0x1000] =	vst v63  }
0x74: {  	_ =	swait.ge [sflag:s3], $0x800  }
0x75: {  	s1 =	rddreg [dreg:$0x7];
	[sflag:s3] =	ssyncset.done $0x0  }
0x76: {  	s8 =	rddreg [dreg:$0x6];
	[sflag:s3] =	ssyncadd.s32 $0xFFFFF800  }
0x77: {  	[tilespmem:s4], [sflag:$0x1] =	stream.indirect.gather [hbm4b:s5+s7], $0x1, s2, s7, $0xb8;
	[tilespmem:$0x1000] =	vst v63  }
0x78: {  	s9 =	rddreg [dreg:$0x8]  }
0x79: {  	[tilespmem:s8], [sflag:$0x1] =	stream.indirect.gather [hbm4b:s5+s7], $0x1, s7, s7, $0xb8;
	[tilespmem:$0x1000] =	vst v63  }
0x7a: {  	s10 =	rddreg [dreg:$0xa]  }
0x7b: {  	[tilespmem:s9], [sflag:$0x1] =	stream.indirect.gather [hbm4b:s5+s7], $0x1, s1, s7, $0xb8;
	[tilespmem:$0x1000] =	vst v63  }
0x7c: {  	s8 =	rddreg [dreg:$0x9]  }
0x7d: {  	[tilespmem:s10], [sflag:$0x1] =	stream.indirect.gather [hbm4b:s5+s7], $0x1, s8, s7, $0xb8;
	[tilespmem:$0x1000] =	vst v63  }
0x7e: {  	s1 =	rddreg [dreg:$0xb];
	s10 =	simm.s32 $0xA00  }
0x7f: {  	[tilespmem:s10], [sflag:$0x1] =	stream.indirect.gather [hbm4b:s5+s7], $0x1, s1, s7, $0xb8;
	[tilespmem:$0x1000] =	vst v63  }
0x80: {  	s9 =	simm.s32 $0x280;
	s8 =	simm.s32 $0xA80  }
0x81: {  	[tilespmem:s8], [sflag:$0x1] =	stream.indirect.gather [hbm4b:s5+s7], $0x1, s9, s7, $0xb8;
	[tilespmem:$0x1000] =	vst v63  }
0x82: {  	_ = 	snop  }
0x83: {  	[tilespmem:s12], [sflag:$0x1] =	stream.indirect.gather [hbm4b:s5+s7], $0x1, s11, s7, $0xb8;
	[tilespmem:$0x1000] =	vst v63  }
0x84: {  	_ = 	snop  }
0x85: {  	[tilespmem:s14], [sflag:$0x1] =	stream.indirect.gather [hbm4b:s5+s7], $0x1, s13, s7, $0xb8;
	[tilespmem:$0x1000] =	vst v63  }
0x86: {  	_ = 	snop  }
0x87: {  	[tilespmem:s16], [sflag:$0x1] =	stream.indirect.gather [hbm4b:s5+s7], $0x1, s15, s7, $0xb8;
	[tilespmem:$0x1000] =	vst v63  }
0x88: {  	_ = 	snop  }
0x89: {  	[tilespmem:s18], [sflag:$0x1] =	stream.indirect.gather [hbm4b:s5+s7], $0x1, s17, s7, $0xb8;
	[tilespmem:$0x1000] =	vst v63  }
0x8a: {  	_ = 	snop  }
0x8b: {  	[tilespmem:s20], [sflag:$0x1] =	stream.indirect.gather [hbm4b:s5+s7], $0x1, s19, s7, $0xb8;
	[tilespmem:$0x1000] =	vst v63  }
0x8c: {  	_ = 	snop  }
0x8d: {  	[tilespmem:s22], [sflag:$0x1] =	stream.indirect.gather [hbm4b:s5+s7], $0x1, s21, s7, $0xb8;
	[tilespmem:$0x1000] =	vst v63  }
0x8e: {  	_ = 	snop  }
0x8f: {  	[tilespmem:s24], [sflag:$0x1] =	stream.indirect.gather [hbm4b:s5+s7], $0x1, s23, s7, $0xb8;
	[tilespmem:$0x1000] =	vst v63  }
0x90: {  	_ = 	snop  }
0x91: {  	[tilespmem:s26], [sflag:$0x1] =	stream.indirect.gather [hbm4b:s5+s7], $0x1, s25, s7, $0xb8;
	[tilespmem:$0x1000] =	vst v63  }
0x92: {  	_ = 	snop  }
0x93: {  	[tilespmem:s29], [sflag:$0x1] =	stream.indirect.gather [hbm4b:s5+s7], $0x1, s28, s7, $0xb8;
	[tilespmem:$0x1000] =	vst v63  }
0x94: {  	_ = 	snop  }
0x95: {  	[tilespmem:s31], [sflag:$0x1] =	stream.indirect.gather [hbm4b:s5+s7], $0x1, s30, s7, $0xb8;
	[tilespmem:$0x1000] =	vst v63  }
0x96: {  	_ =	swait.ge [sflag:s6], $0x80  }
0x97: {  	[sflag:s6] =	ssyncset.done $0x0  }
0x98: {  	[sflag:s6] =	ssyncadd.s32 $0xFFFFFF80  }
0x99: {  	_ =	swait.ge [sflag:s6], $0x80  }
0x9a: {  	[sflag:s6] =	ssyncset.done $0x0  }
0x9b: {  	[sflag:s6] =	ssyncadd.s32 $0xFFFFFF80  }
0x9c: {  	_ =	swait.ge [sflag:s6], $0x80  }
0x9d: {  	[sflag:s6] =	ssyncset.done $0x0  }
0x9e: {  	[sflag:s6] =	ssyncadd.s32 $0xFFFFFF80  }
0x9f: {  	_ =	swait.ge [sflag:s6], $0x80  }
0xa0: {  	[sflag:s6] =	ssyncset.done $0x0  }
0xa1: {  	[sflag:s6] =	ssyncadd.s32 $0xFFFFFF80  }
0xa2: {  	_ =	swait.ge [sflag:s6], $0x80  }
0xa3: {  	[sflag:s6] =	ssyncset.done $0x0  }
0xa4: {  	[sflag:s6] =	ssyncadd.s32 $0xFFFFFF80  }
0xa5: {  	_ =	swait.ge [sflag:s6], $0x80  }
0xa6: {  	[sflag:s6] =	ssyncset.done $0x0  }
0xa7: {  	[sflag:s6] =	ssyncadd.s32 $0xFFFFFF80  }
0xa8: {  	_ =	swait.ge [sflag:s6], $0x80  }
0xa9: {  	[sflag:s6] =	ssyncset.done $0x0  }
0xaa: {  	[sflag:s6] =	ssyncadd.s32 $0xFFFFFF80  }
0xab: {  	_ =	swait.ge [sflag:s6], $0x80  }
0xac: {  	[sflag:s6] =	ssyncset.done $0x0  }
0xad: {  	[sflag:s6] =	ssyncadd.s32 $0xFFFFFF80  }
0xae: {  	_ =	swait.ge [sflag:s6], $0x80  }
0xaf: {  	[sflag:s6] =	ssyncset.done $0x0  }
0xb0: {  	[sflag:s6] =	ssyncadd.s32 $0xFFFFFF80  }
0xb1: {  	_ =	swait.ge [sflag:s6], $0x80  }
0xb2: {  	[sflag:s6] =	ssyncset.done $0x0  }
0xb3: {  	[sflag:s6] =	ssyncadd.s32 $0xFFFFFF80  }
0xb4: {  	_ =	swait.ge [sflag:s6], $0x80  }
0xb5: {  	[sflag:s6] =	ssyncset.done $0x0  }
0xb6: {  	[sflag:s6] =	ssyncadd.s32 $0xFFFFFF80  }
0xb7: {  	_ =	swait.ge [sflag:s6], $0x80  }
0xb8: {  	[sflag:s6] =	ssyncset.done $0x0  }
0xb9: {  	[sflag:s6] =	ssyncadd.s32 $0xFFFFFF80  }
0xba: {  	_ =	swait.ge [sflag:s6], $0x80  }
0xbb: {  	[sflag:s6] =	ssyncset.done $0x0  }
0xbc: {  	[sflag:s6] =	ssyncadd.s32 $0xFFFFFF80  }
0xbd: {  	_ =	swait.ge [sflag:s6], $0x80  }
0xbe: {  	[sflag:s6] =	ssyncset.done $0x0  }
0xbf: {  	[sflag:s6] =	ssyncadd.s32 $0xFFFFFF80  }
0xc0: {  	_ =	swait.ge [sflag:s6], $0x80  }
0xc1: {  	p1 =	sne.s32 s0, $0x1;
	[sflag:s6] =	ssyncset.done $0x0  }
.Ltmp2:
0xc2: {  	[sflag:s6] =	ssyncadd.s32 $0xFFFFFF80;
	(pc) =	sbr.rel @p1 .LBB2_2-.Ltmp2, $4  }
0xc3: {  	_ =	swait.ge [sflag:s6], $0x80  }
0xc4: {  	[sflag:s6] =	ssyncset.done $0x0  }
0xc5: {  	s0 =	sadd.s32 $0xFFFFFFFF, s0;
	s10 =	rddreg [dreg:$0x5];
	[sflag:s6] =	ssyncadd.s32 $0xFFFFFF80  }
0xc6: {  	[hbm4b:s10+s2] =	stream.linear.scatter [tilespmem:s4], [sflag:$0x2], $0x800, $0x38;
	[tilespmem:$0x1000] =	vst v63  }
.LBB2_3:
0xc7: {  	_ =	swait.ge @p0 [sflag:s3], $0x800  }
0xc8: {  	[sflag:s3] =	ssyncset.done @p0 $0x0  }
0xc9: {  	s0 =	rddreg [dreg:$0x4];
	[sflag:s3] =	ssyncadd.s32 @p0 $0xFFFFF800  }
0xca: {  	[tilespmem:s2], [sflag:$0x2] =	stream.linear.gather [hbm4b:s0+s2], $0x800, $0x38;
	[tilespmem:$0x1000] =	vst v63  }
0xcb: {  	_ =	swait.ge [sflag:s3], $0x800  }
0xcc: {  	[sflag:s3] =	ssyncset.done $0x0;
	s10 =	rddreg [dreg:$0x6]  }
0xcd: {  	s0 =	rddreg [dreg:$0x7];
	[sflag:s3] =	ssyncadd.s32 $0xFFFFF800  }
0xce: {  	[tilespmem:s4], [sflag:$0x1] =	stream.indirect.gather [hbm4b:s5+s7], $0x1, s2, s7, $0xb8;
	[tilespmem:$0x1000] =	vst v63  }
0xcf: {  	s1 =	rddreg [dreg:$0x8]  }
0xd0: {  	[tilespmem:s10], [sflag:$0x1] =	stream.indirect.gather [hbm4b:s5+s7], $0x1, s7, s7, $0xb8;
	[tilespmem:$0x1000] =	vst v63  }
0xd1: {  	s8 =	rddreg [dreg:$0xa]  }
0xd2: {  	[tilespmem:s1], [sflag:$0x1] =	stream.indirect.gather [hbm4b:s5+s7], $0x1, s0, s7, $0xb8;
	[tilespmem:$0x1000] =	vst v63  }
0xd3: {  	s9 =	rddreg [dreg:$0x9]  }
0xd4: {  	[tilespmem:s8], [sflag:$0x1] =	stream.indirect.gather [hbm4b:s5+s7], $0x1, s9, s7, $0xb8;
	[tilespmem:$0x1000] =	vst v63  }
0xd5: {  	s10 =	simm.s32 $0xA00;
	s1 =	rddreg [dreg:$0xb]  }
0xd6: {  	[tilespmem:s10], [sflag:$0x1] =	stream.indirect.gather [hbm4b:s5+s7], $0x1, s1, s7, $0xb8;
	[tilespmem:$0x1000] =	vst v63  }
0xd7: {  	s9 =	simm.s32 $0xA80;
	s10 =	simm.s32 $0x280  }
0xd8: {  	[tilespmem:s9], [sflag:$0x1] =	stream.indirect.gather [hbm4b:s5+s7], $0x1, s10, s7, $0xb8;
	[tilespmem:$0x1000] =	vst v63  }
0xd9: {  	_ = 	snop  }
0xda: {  	[tilespmem:s12], [sflag:$0x1] =	stream.indirect.gather [hbm4b:s5+s7], $0x1, s11, s7, $0xb8;
	[tilespmem:$0x1000] =	vst v63  }
0xdb: {  	_ = 	snop  }
0xdc: {  	[tilespmem:s14], [sflag:$0x1] =	stream.indirect.gather [hbm4b:s5+s7], $0x1, s13, s7, $0xb8;
	[tilespmem:$0x1000] =	vst v63  }
0xdd: {  	_ = 	snop  }
0xde: {  	[tilespmem:s16], [sflag:$0x1] =	stream.indirect.gather [hbm4b:s5+s7], $0x1, s15, s7, $0xb8;
	[tilespmem:$0x1000] =	vst v63  }
0xdf: {  	_ = 	snop  }
0xe0: {  	[tilespmem:s18], [sflag:$0x1] =	stream.indirect.gather [hbm4b:s5+s7], $0x1, s17, s7, $0xb8;
	[tilespmem:$0x1000] =	vst v63  }
0xe1: {  	_ = 	snop  }
0xe2: {  	[tilespmem:s20], [sflag:$0x1] =	stream.indirect.gather [hbm4b:s5+s7], $0x1, s19, s7, $0xb8;
	[tilespmem:$0x1000] =	vst v63  }
0xe3: {  	_ = 	snop  }
0xe4: {  	[tilespmem:s22], [sflag:$0x1] =	stream.indirect.gather [hbm4b:s5+s7], $0x1, s21, s7, $0xb8;
	[tilespmem:$0x1000] =	vst v63  }
0xe5: {  	_ = 	snop  }
0xe6: {  	[tilespmem:s24], [sflag:$0x1] =	stream.indirect.gather [hbm4b:s5+s7], $0x1, s23, s7, $0xb8;
	[tilespmem:$0x1000] =	vst v63  }
0xe7: {  	_ = 	snop  }
0xe8: {  	[tilespmem:s26], [sflag:$0x1] =	stream.indirect.gather [hbm4b:s5+s7], $0x1, s25, s7, $0xb8;
	[tilespmem:$0x1000] =	vst v63  }
0xe9: {  	_ = 	snop  }
0xea: {  	[tilespmem:s29], [sflag:$0x1] =	stream.indirect.gather [hbm4b:s5+s7], $0x1, s28, s7, $0xb8;
	[tilespmem:$0x1000] =	vst v63  }
0xeb: {  	_ = 	snop  }
0xec: {  	[tilespmem:s31], [sflag:$0x1] =	stream.indirect.gather [hbm4b:s5+s7], $0x1, s30, s7, $0xb8;
	[tilespmem:$0x1000] =	vst v63  }
0xed: {  	_ =	swait.ge [sflag:s6], $0x80  }
0xee: {  	[sflag:s6] =	ssyncset.done $0x0  }
0xef: {  	[sflag:s6] =	ssyncadd.s32 $0xFFFFFF80  }
0xf0: {  	_ =	swait.ge [sflag:s6], $0x80  }
0xf1: {  	[sflag:s6] =	ssyncset.done $0x0  }
0xf2: {  	[sflag:s6] =	ssyncadd.s32 $0xFFFFFF80  }
0xf3: {  	_ =	swait.ge [sflag:s6], $0x80  }
0xf4: {  	[sflag:s6] =	ssyncset.done $0x0  }
0xf5: {  	[sflag:s6] =	ssyncadd.s32 $0xFFFFFF80  }
0xf6: {  	_ =	swait.ge [sflag:s6], $0x80  }
0xf7: {  	[sflag:s6] =	ssyncset.done $0x0  }
0xf8: {  	[sflag:s6] =	ssyncadd.s32 $0xFFFFFF80  }
0xf9: {  	_ =	swait.ge [sflag:s6], $0x80  }
0xfa: {  	[sflag:s6] =	ssyncset.done $0x0  }
0xfb: {  	[sflag:s6] =	ssyncadd.s32 $0xFFFFFF80  }
0xfc: {  	_ =	swait.ge [sflag:s6], $0x80  }
0xfd: {  	[sflag:s6] =	ssyncset.done $0x0  }
0xfe: {  	[sflag:s6] =	ssyncadd.s32 $0xFFFFFF80  }
0xff: {  	_ =	swait.ge [sflag:s6], $0x80  }
0x100: {  	[sflag:s6] =	ssyncset.done $0x0  }
0x101: {  	[sflag:s6] =	ssyncadd.s32 $0xFFFFFF80  }
0x102: {  	_ =	swait.ge [sflag:s6], $0x80  }
0x103: {  	[sflag:s6] =	ssyncset.done $0x0  }
0x104: {  	[sflag:s6] =	ssyncadd.s32 $0xFFFFFF80  }
0x105: {  	_ =	swait.ge [sflag:s6], $0x80  }
0x106: {  	[sflag:s6] =	ssyncset.done $0x0  }
0x107: {  	[sflag:s6] =	ssyncadd.s32 $0xFFFFFF80  }
0x108: {  	_ =	swait.ge [sflag:s6], $0x80  }
0x109: {  	[sflag:s6] =	ssyncset.done $0x0  }
0x10a: {  	[sflag:s6] =	ssyncadd.s32 $0xFFFFFF80  }
0x10b: {  	_ =	swait.ge [sflag:s6], $0x80  }
0x10c: {  	[sflag:s6] =	ssyncset.done $0x0  }
0x10d: {  	[sflag:s6] =	ssyncadd.s32 $0xFFFFFF80  }
0x10e: {  	_ =	swait.ge [sflag:s6], $0x80  }
0x10f: {  	[sflag:s6] =	ssyncset.done $0x0  }
0x110: {  	[sflag:s6] =	ssyncadd.s32 $0xFFFFFF80  }
0x111: {  	_ =	swait.ge [sflag:s6], $0x80  }
0x112: {  	[sflag:s6] =	ssyncset.done $0x0  }
0x113: {  	[sflag:s6] =	ssyncadd.s32 $0xFFFFFF80  }
0x114: {  	_ =	swait.ge [sflag:s6], $0x80  }
0x115: {  	[sflag:s6] =	ssyncset.done $0x0  }
0x116: {  	[sflag:s6] =	ssyncadd.s32 $0xFFFFFF80  }
0x117: {  	_ =	swait.ge [sflag:s6], $0x80  }
0x118: {  	[sflag:s6] =	ssyncset.done $0x0  }
0x119: {  	[sflag:s6] =	ssyncadd.s32 $0xFFFFFF80  }
0x11a: {  	_ =	swait.ge [sflag:s6], $0x80  }
0x11b: {  	[sflag:s6] =	ssyncset.done $0x0  }
0x11c: {  	s30 =	rddreg [dreg:$0x5];
	[sflag:s6] =	ssyncadd.s32 $0xFFFFFF80  }
0x11d: {  	[hbm4b:s30+s2] =	stream.linear.scatter [tilespmem:s4], [sflag:$0x2], $0x800, $0x38;
	[tilespmem:$0x1000] =	vst v63  }
0x11e: {  	_ =	swait.ge [sflag:s3], $0x800  }
0x11f: {  	[sflag:s3] =	ssyncset.done $0x0  }
0x120: {  	[sflag:s3] =	ssyncadd.s32 $0xFFFFF800  }
0x121: {  	_ =	sfence.sel $0x180000  }
0x122: {  	[bflag:$0x0] =	sbarrier.arrive $0xFFFF  }
0x123: {  	_ =	strace $0x90000047  }
0x124: {  	s31 =	stileid.u32;
	[bflag:$0x2] =	sbarrier.arrive $0xFFFF  }
0x125: {  	p0 =	sne.s32 s31, $0x0;
	s0 =	rddreg [dreg:$0x3]  }
0x126: {  	s0 =	sadd.s32 @!p0 $0x100000, s0  }
0x127: {  	[sflag:s0] =	ssyncadd.tile.s32 @!p0 $0x1;
	_ =	shalt  }
.Lfunc_end2:
_tile_overlayer_lowered:
.L_overlay_start_2:
0x128: {  	(tag) =	ssettag $0x2  }
0x129: {  	s0 =	rddreg [dreg:$0x0];
	s2 =	stileid.u32  }
0x12a: {  	s1 =	rddreg [dreg:$0x1];
	p0 =	sne.s32 s2, $0x0  }
0x12b: {  	s3 =	rddreg [dreg:$0x2];
	[bflag:$0x3] =	sbarrier.arrive $0xFFFF;
	s2 =	simm.s32 @!p0 $0x1C02  }
0x12c: {  	[timem:s3], [sflag:s2] =	dma.local @!p0 [hbm:s0], s1  }
0x12d: {  	s0 =	simm.s32 @!p0 $0x2  }
0x12e: {  	_ =	swait.ge @!p0 [sflag:s0], s1  }
0x12f: {  	s1 =	ssub.s32 @!p0 $0x0, s1;
	[sflag:s0] =	ssyncset.done @!p0 $0x0  }
0x130: {  	[sflag:s0] =	ssyncadd.s32 @!p0 s1  }
0x131: {  	[bflag:$0x3] =	sbarrier.arrive $0xFFFF  }
0x132: {  	_ =	shalt  }

</sc_bundles>
